<compile_context>
chip_gen: v7x
topology: tpu7x:2x2x1
jax: 0.10.2.dev20260603
libtpu: 0.0.44.dev20260713+nightly
codegen_flags: <defaults>
</compile_context>

<pallas_src>
import functools

import jax
import jax.numpy as jnp
import numpy as np
from jax import lax
from jax.experimental import pallas as pl
from jax.experimental.pallas import tpu as pltpu
from jax.experimental.pallas import tpu_sc as plsc

N = 10000
K = 32
D_NODE = 128
D_EDGE = 16
D_TIME = 128
N_HEAD = 8
Q_DIM = D_NODE + D_TIME
HD = Q_DIM // N_HEAD

NW = 32
EDGES = N * K
EPW = EDGES // NW
CH = 80
NCH = EPW // CH

NB = 80
EB = NB * K
GRID = N // NB

TW = 128


def _sc_gather(table, idx3):
    mesh = plsc.VectorSubcoreMesh(core_axis_name="c", subcore_axis_name="s")

    @functools.partial(
        pl.kernel,
        out_type=jax.ShapeDtypeStruct((EDGES, TW), jnp.int32),
        mesh=mesh,
        scratch_types=[
            pltpu.VMEM((NCH, CH), jnp.int32),
            pltpu.VMEM((CH, TW), jnp.int32),
            pltpu.VMEM((CH, TW), jnp.int32),
            pltpu.SemaphoreType.DMA,
            pltpu.SemaphoreType.DMA,
        ],
    )
    def k(table_hbm, idx_hbm, outg_hbm, idx_v, rows0, rows1, sem0, sem1):
        wid = lax.axis_index("s") * 2 + lax.axis_index("c")
        base = wid * EPW
        pltpu.sync_copy(idx_hbm.at[wid], idx_v)
        bufs = (rows0, rows1)
        sems = (sem0, sem1)
        pltpu.async_copy(table_hbm.at[idx_v.at[0]], rows0, sem0)

        def body(i, _):
            par = lax.rem(i, 2)

            @pl.when(i + 1 < NCH)
            def _():
                nxt = lax.rem(i + 1, 2)
                for b in range(2):
                    @pl.when(nxt == b)
                    def _():
                        pltpu.async_copy(
                            table_hbm.at[idx_v.at[i + 1]], bufs[b], sems[b]
                        )

            for b in range(2):
                @pl.when(par == b)
                def _():
                    pltpu.make_async_copy(
                        table_hbm.at[idx_v.at[i]], bufs[b], sems[b]
                    ).wait()
                    pltpu.sync_copy(
                        bufs[b], outg_hbm.at[pl.ds(base + i * CH, CH)]
                    )
            return ()

        lax.fori_loop(0, NCH, body, ())

    return k(table, idx3)


_COSP = (9.99999974e-01, -1.97392029e+01, 6.49390756e+01, -8.54496973e+01,
         6.01656124e+01, -2.59641627e+01, 6.52815046e+00)


def _fast_cos(x):
    r = x * np.float32(1.0 / (2.0 * np.pi))
    r = r - jnp.round(r)
    u = r * r
    p = jnp.full_like(u, _COSP[-1])
    for c in _COSP[-2::-1]:
        p = p * u + np.float32(c)
    return p


def _tc_body(Gh, ts2, hb, ef, tw, tb, Wqh, Wqt, bq, Whkv, Wekv, Wtkv,
             bkv, S, ST, WoT, bo, W1h, W1b, b1, W2T, b2, out):
    f32 = jnp.float32
    bf16 = jnp.bfloat16
    gi = Gh[...]
    hsrc = lax.bitcast_convert_type(
        gi & np.int32(-65536), f32).astype(bf16)
    lo16 = np.int32(0xFFFF)
    lu_bits = (((gi[:, 0:1] & lo16) << 16)
               | (gi[:, 1:2] & lo16))
    lu = lax.bitcast_convert_type(lu_bits, f32)
    dt = ts2[...] - lu
    te = _fast_cos(dt * tw[...] + tb[...])
    kv = (
        jnp.dot(hsrc, Whkv[...], preferred_element_type=f32)
        + jnp.dot(ef[...], Wekv[...], preferred_element_type=f32)
        + jnp.dot(te.astype(bf16), Wtkv[...], preferred_element_type=f32)
        + bkv[...]
    )
    k_ = kv[:, :Q_DIM]
    v_ = kv[:, Q_DIM:]
    hq = hb[...]
    qc = jnp.dot(_fast_cos(tb[...]).astype(bf16), Wqt[...],
                 preferred_element_type=f32) + bq[...]
    q = jnp.dot(hq, Wqh[...], preferred_element_type=f32) + qc
    qk = (k_.reshape(NB, K, Q_DIM) * q[:, None, :]).reshape(EB, Q_DIM)
    sc8 = jnp.dot(qk.astype(bf16), S[...],
                  preferred_element_type=f32) * (1.0 / np.sqrt(HD))
    sc3 = sc8.reshape(NB, K, N_HEAD)
    m = jnp.max(sc3, axis=1, keepdims=True)
    p = jnp.exp(sc3 - m)
    attn = p / jnp.sum(p, axis=1, keepdims=True)
    ae = jnp.dot(attn.astype(bf16).reshape(EB, N_HEAD), ST[...],
                 preferred_element_type=f32)
    ctx = jnp.sum((ae * v_).reshape(NB, K, Q_DIM), axis=1)
    hbefore = jnp.dot(ctx.astype(bf16), WoT[...],
                      preferred_element_type=f32) + bo[...]
    hid = jnp.dot(hq, W1h[...], preferred_element_type=f32)
    hid = hid + jnp.dot(hbefore.astype(bf16), W1b[...],
                        preferred_element_type=f32) + b1[...]
    hid = jnp.maximum(hid, 0.0)
    out[...] = jnp.dot(hid.astype(bf16), W2T[...],
                       preferred_element_type=f32) + b2[...]


def _tc_main(G, ts2, h, ef2, tw, tb, Wqh, Wqt, bq, Whkv, Wekv, Wtkv, bkv,
             S, ST, WoT, bo, W1h, W1b, b1, W2T, b2):
    def cspec(shape):
        return pl.BlockSpec(shape, lambda i: (0, 0))

    grid_spec = pl.GridSpec(
        grid=(GRID,),
        in_specs=[
            pl.BlockSpec((EB, D_NODE), lambda i: (i, 0)),
            pl.BlockSpec((EB, 1), lambda i: (i, 0)),
            pl.BlockSpec((NB, D_NODE), lambda i: (i, 0)),
            pl.BlockSpec((EB, D_EDGE), lambda i: (i, 0)),
            cspec((1, D_TIME)),
            cspec((1, D_TIME)),
            cspec((D_NODE, Q_DIM)),
            cspec((D_TIME, Q_DIM)),
            cspec((1, Q_DIM)),
            cspec((D_NODE, 2 * Q_DIM)),
            cspec((D_EDGE, 2 * Q_DIM)),
            cspec((D_TIME, 2 * Q_DIM)),
            cspec((1, 2 * Q_DIM)),
            cspec((Q_DIM, N_HEAD)),
            cspec((N_HEAD, Q_DIM)),
            cspec((Q_DIM, Q_DIM)),
            cspec((1, Q_DIM)),
            cspec((D_NODE, D_NODE)),
            cspec((Q_DIM, D_NODE)),
            cspec((1, D_NODE)),
            cspec((D_NODE, D_NODE)),
            cspec((1, D_NODE)),
        ],
        out_specs=pl.BlockSpec((NB, D_NODE), lambda i: (i, 0)),
    )
    return pl.pallas_call(
        _tc_body,
        grid_spec=grid_spec,
        out_shape=jax.ShapeDtypeStruct((N, D_NODE), jnp.float32),
    )(G, ts2, h, ef2, tw, tb, Wqh, Wqt, bq, Whkv, Wekv, Wtkv, bkv,
      S, ST, WoT, bo, W1h, W1b, b1, W2T, b2)


_SEL = np.repeat(np.eye(N_HEAD, dtype=np.float32), HD, axis=0)


def kernel(h, nbr_idx, edge_feat, edge_ts, last_update, time_w, time_b,
           Wq, Wk, Wv, b_in, Wo, bo, W1, b1, W2, b2):
    f32 = jnp.float32
    bf16 = jnp.bfloat16
    h = h.astype(f32)
    nbr = nbr_idx.astype(jnp.int32)
    idx3 = nbr.reshape(NW, NCH, CH)
    h_i = lax.bitcast_convert_type(h.astype(bf16).astype(f32), jnp.int32)
    lu_i = lax.bitcast_convert_type(last_update.astype(f32)[:, None],
                                    jnp.int32)
    lo16 = np.int32(0xFFFF)
    col0 = h_i[:, 0:1] | ((lu_i >> 16) & lo16)
    col1 = h_i[:, 1:2] | (lu_i & lo16)
    table = jnp.concatenate([col0, col1, h_i[:, 2:]], axis=1)
    G = _sc_gather(table, idx3)
    ts2 = edge_ts.astype(f32).reshape(EDGES, 1)

    ef2 = edge_feat.astype(bf16).reshape(EDGES, D_EDGE)
    tw = time_w.astype(f32)[None, :]
    tb = time_b.astype(f32)[None, :]

    bq = b_in[:Q_DIM][None, :]
    bk = b_in[Q_DIM:2 * Q_DIM]
    bv = b_in[2 * Q_DIM:]
    Wqh = Wq[:, :D_NODE].T.astype(bf16)
    Wqt = Wq[:, D_NODE:].T.astype(bf16)
    Whkv = jnp.concatenate([Wk[:, :D_NODE].T, Wv[:, :D_NODE].T],
                           axis=1).astype(bf16)
    Wekv = jnp.concatenate([Wk[:, D_NODE:D_NODE + D_EDGE].T,
                            Wv[:, D_NODE:D_NODE + D_EDGE].T],
                           axis=1).astype(bf16)
    Wtkv = jnp.concatenate([Wk[:, D_NODE + D_EDGE:].T,
                            Wv[:, D_NODE + D_EDGE:].T], axis=1).astype(bf16)
    bkv = jnp.concatenate([bk, bv])[None, :]
    S = jnp.asarray(_SEL).astype(bf16)
    ST = S.T
    WoT = Wo.T.astype(bf16)
    W1h = W1[:, :D_NODE].T.astype(bf16)
    W1b = W1[:, D_NODE:].T.astype(bf16)
    b1_ = b1[None, :]
    W2T = W2.T.astype(bf16)
    b2_ = b2[None, :]
    bo_ = bo[None, :]

    return _tc_main(G, ts2, h.astype(bf16), ef2, tw, tb, Wqh, Wqt, bq, Whkv,
                    Wekv, Wtkv, bkv, S, ST, WoT, bo_, W1h, W1b, b1_, W2T, b2_)

# --- scband reference (transcript-rebuilt; emitter-appended) ---
"""Pipeline reference for scband-attn-53738630807839 (READ-ONLY COPY).

The authoritative reference and input builder live on the scoring server;
editing this copy changes nothing except your own understanding.
"""

import jax, jax.numpy as jnp
import numpy as np

N = 10000
K = 32
D_NODE = 128
D_EDGE = 16
D_TIME = 128
D_EMB = 128
N_HEAD = 8
Q_DIM = D_NODE + D_TIME      # 256
K_DIM = D_NODE + D_TIME + D_EDGE  # 272
HD = Q_DIM // N_HEAD


def time_encode(t, w, b):
    # TGN-style time encoder: cos(t * w + b)
    return jnp.cos(t[..., None] * w + b)


def setup_inputs() -> dict:
    ks = jax.random.split(jax.random.key(0), 14)
    inp = {}
    inp["h"] = jax.random.normal(ks[0], (N, D_NODE), dtype=jnp.float32)
    inp["nbr_idx"] = jax.random.randint(ks[1], (N, K), 0, N)
    inp["edge_feat"] = jax.random.normal(ks[2], (N, K, D_EDGE), dtype=jnp.float32)
    inp["edge_ts"] = jax.random.uniform(ks[3], (N, K), dtype=jnp.float32)
    inp["last_update"] = jax.random.uniform(ks[4], (N,), dtype=jnp.float32)
    # learned params
    inp["time_w"] = jax.random.normal(ks[5], (D_TIME,), dtype=jnp.float32)
    inp["time_b"] = jax.random.normal(ks[6], (D_TIME,), dtype=jnp.float32)
    sq = 1.0 / np.sqrt(Q_DIM)
    sk = 1.0 / np.sqrt(K_DIM)
    inp["Wq"] = jax.random.normal(ks[7], (Q_DIM, Q_DIM), dtype=jnp.float32) * sq
    inp["Wk"] = jax.random.normal(ks[8], (Q_DIM, K_DIM), dtype=jnp.float32) * sk
    inp["Wv"] = jax.random.normal(ks[9], (Q_DIM, K_DIM), dtype=jnp.float32) * sk
    inp["b_in"] = jnp.zeros((3 * Q_DIM,), dtype=jnp.float32)
    inp["Wo"] = jax.random.normal(ks[10], (Q_DIM, Q_DIM), dtype=jnp.float32) * sq
    inp["bo"] = jnp.zeros((Q_DIM,), dtype=jnp.float32)
    inp["W1"] = jax.random.normal(ks[11], (D_NODE, Q_DIM + D_NODE), dtype=jnp.float32) * (1.0 / np.sqrt(Q_DIM + D_NODE))
    inp["b1"] = jnp.zeros((D_NODE,), dtype=jnp.float32)
    inp["W2"] = jax.random.normal(ks[12], (D_EMB, D_NODE), dtype=jnp.float32) * (1.0 / np.sqrt(D_NODE))
    inp["b2"] = jnp.zeros((D_EMB,), dtype=jnp.float32)
    return inp


def reference(h, nbr_idx, edge_feat, edge_ts, last_update, time_w, time_b,
              Wq, Wk, Wv, b_in, Wo, bo, W1, b1, W2, b2):
    # C_compute: message C = [h_src, edge_feat, time_enc(ts - last_update_src)]
    h_src = jnp.take(h, nbr_idx, axis=0)                      # [N, K, D_NODE] (gather)
    dt = edge_ts - jnp.take(last_update, nbr_idx, axis=0)     # [N, K]
    te = time_encode(dt, time_w, time_b)                      # [N, K, D_TIME]
    C = jnp.concatenate([h_src, edge_feat, te], axis=-1)      # [N, K, K_DIM]
    # h_compute: query = [h, time_enc(0)]
    te_q = time_encode(jnp.zeros((h.shape[0],), dtype=jnp.float32), time_w, time_b)
    query = jnp.concatenate([h, te_q], axis=-1)               # [N, Q_DIM]
    bq = b_in[:Q_DIM]
    bk = b_in[Q_DIM:2 * Q_DIM]
    bv = b_in[2 * Q_DIM:]
    q = query @ Wq.T + bq                                     # [N, Q_DIM]
    k = C @ Wk.T + bk                                         # [N, K, Q_DIM]
    v = C @ Wv.T + bv
    qh = q.reshape(-1, N_HEAD, HD)                            # [N, H, HD]
    kh = k.reshape(-1, K, N_HEAD, HD).transpose(0, 2, 1, 3)   # [N, H, K, HD]
    vh = v.reshape(-1, K, N_HEAD, HD).transpose(0, 2, 1, 3)
    scores = jnp.einsum('nhd,nhkd->nhk', qh, kh) * (1.0 / np.sqrt(HD))
    attn = jax.nn.softmax(scores, axis=-1)
    ctx = jnp.einsum('nhk,nhkd->nhd', attn, vh).reshape(-1, Q_DIM)
    h_before = ctx @ Wo.T + bo                                # [N, Q_DIM]
    # MergeLayer(h, h_before): fc2(relu(fc1(cat([x1, x2]))))
    x = jnp.concatenate([h, h_before], axis=-1)               # [N, D_NODE + Q_DIM]
    hid = jax.nn.relu(x @ W1.T + b1)
    return hid @ W2.T + b2                                    # [N, D_EMB]

if __name__ == "__main__":
    import jax
    _d = setup_inputs()
    print(jax.jit(kernel)(*tuple(_d.values())))

</pallas_src>

<mosaic_0001>
#map = affine_map<(d0, d1) -> (0, 0)>
#map1 = affine_map<(d0, d1) -> (0, 0, 0)>
module attributes {stable_mosaic.version = 14 : i64} {
  func.func @k(%arg0: i32, %arg1: i32, %arg2: memref<10000x128xi32, #tpu.memory_space<hbm>>, %arg3: memref<32x125x80xi32, #tpu.memory_space<hbm>>, %arg4: memref<320000x128xi32, #tpu.memory_space<hbm>>, %arg5: memref<125x80xi32, #tpu.memory_space<vmem>>, %arg6: memref<80x128xi32, #tpu.memory_space<vmem>>, %arg7: memref<80x128xi32, #tpu.memory_space<vmem>>, %arg8: memref<!tpu.dma_semaphore, #tpu.memory_space<semaphore_mem>>, %arg9: memref<!tpu.dma_semaphore, #tpu.memory_space<semaphore_mem>>) attributes {dimension_semantics = [#tpu.dimension_semantics<core_parallel>, #tpu.dimension_semantics<subcore_parallel>], iteration_bounds = array<i64: 2, 16>, scalar_prefetch = 0 : i64, scratch_operands = 5 : i64, tpu.core_type = #tpu.core_type<sc_vector_subcore>, window_params = [{transform_indices = #map}, {transform_indices = #map1}, {transform_indices = #map}]} {
    %mul3A = arith.constant 2 : i32
    %mul3A_0 = arith.muli %arg1, %mul3A : i32
    %add3A = arith.addi %mul3A_0, %arg0 : i32
    %mul3A_1 = arith.constant 10000 : i32
    %mul3A_2 = arith.muli %add3A, %mul3A_1 : i32
    "tpu.region"() ({
      %run_scoped3A = tpu.sem_alloc : memref<!tpu.dma_semaphore, #tpu.memory_space<semaphore_mem>>
      %dma_start3A_13 = arith.constant 0 : i32
      %dma_start3A_14 = arith.constant 0 : i32
      %dma_start3A_15 = tpu.memref_slice %arg3[%add3A, %dma_start3A_13, %dma_start3A_14] : memref<32x125x80xi32, #tpu.memory_space<hbm>> -> memref<1x125x80xi32, #tpu.memory_space<hbm>>
      %dma_start3A_16 = tpu.memref_squeeze %dma_start3A_15 : memref<1x125x80xi32, #tpu.memory_space<hbm>> -> memref<125x80xi32, #tpu.memory_space<hbm>>
      %dma_start3A_17 = arith.constant 0 : i32
      %dma_start3A_18 = arith.constant 0 : i32
      %dma_start3A_19 = tpu.memref_slice %arg3[%add3A, %dma_start3A_17, %dma_start3A_18] : memref<32x125x80xi32, #tpu.memory_space<hbm>> -> memref<1x125x80xi32, #tpu.memory_space<hbm>>
      %dma_start3A_20 = tpu.memref_squeeze %dma_start3A_19 : memref<1x125x80xi32, #tpu.memory_space<hbm>> -> memref<125x80xi32, #tpu.memory_space<hbm>>
      tpu.enqueue_dma source(%dma_start3A_20 : memref<125x80xi32, #tpu.memory_space<hbm>>) target(%arg5 : memref<125x80xi32, #tpu.memory_space<vmem>>) target_semaphore(%run_scoped3A : memref<!tpu.dma_semaphore, #tpu.memory_space<semaphore_mem>>)
      %dma_wait3A = arith.constant 0 : i32
      %dma_wait3A_21 = arith.constant 0 : i32
      %dma_wait3A_22 = tpu.memref_slice %arg3[%add3A, %dma_wait3A, %dma_wait3A_21] : memref<32x125x80xi32, #tpu.memory_space<hbm>> -> memref<1x125x80xi32, #tpu.memory_space<hbm>>
      %dma_wait3A_23 = tpu.memref_squeeze %dma_wait3A_22 : memref<1x125x80xi32, #tpu.memory_space<hbm>> -> memref<125x80xi32, #tpu.memory_space<hbm>>
      %dma_wait3A_24 = arith.constant 0 : i32
      %dma_wait3A_25 = arith.constant 0 : i32
      %dma_wait3A_26 = tpu.memref_slice %arg3[%add3A, %dma_wait3A_24, %dma_wait3A_25] : memref<32x125x80xi32, #tpu.memory_space<hbm>> -> memref<1x125x80xi32, #tpu.memory_space<hbm>>
      %dma_wait3A_27 = tpu.memref_squeeze %dma_wait3A_26 : memref<1x125x80xi32, #tpu.memory_space<hbm>> -> memref<125x80xi32, #tpu.memory_space<hbm>>
      tpu.wait_dma2 semaphore(%run_scoped3A : memref<!tpu.dma_semaphore, #tpu.memory_space<semaphore_mem>>) src(%dma_wait3A_27 : memref<125x80xi32, #tpu.memory_space<hbm>>) dst(%arg5 : memref<125x80xi32, #tpu.memory_space<vmem>>)
      tpu.yield
    }) : () -> ()
    %dma_start3A = arith.constant 0 : i32
    %dma_start3A_3 = arith.constant 0 : i32
    %dma_start3A_4 = tpu.memref_slice %arg5[%dma_start3A, %dma_start3A_3] : memref<125x80xi32, #tpu.memory_space<vmem>> -> memref<1x80xi32, #tpu.memory_space<vmem>>
    %dma_start3A_5 = tpu.memref_squeeze %dma_start3A_4 : memref<1x80xi32, #tpu.memory_space<vmem>> -> memref<80xi32, #tpu.memory_space<vmem>>
    %dma_start3A_6 = arith.constant 0 : i32
    %dma_start3A_7 = arith.constant 0 : i32
    %dma_start3A_8 = tpu.memref_slice %arg2[%dma_start3A_6, %dma_start3A_7] : memref<10000x128xi32, #tpu.memory_space<hbm>> -> memref<10000x128xi32, #tpu.memory_space<hbm>>
    tpu.enqueue_indirect_dma source(%dma_start3A_8 : memref<10000x128xi32, #tpu.memory_space<hbm>>) target(%arg6 : memref<80x128xi32, #tpu.memory_space<vmem>>) offsets(%dma_start3A_5 : memref<80xi32, #tpu.memory_space<vmem>>) semaphore(%arg8 : memref<!tpu.dma_semaphore, #tpu.memory_space<semaphore_mem>>)
    %scan3A = arith.constant 0 : i32
    %scan3A_9 = arith.constant 125 : i32
    %scan3A_10 = arith.addi %scan3A, %scan3A_9 : i32
    %scan3A_11 = arith.constant 1 : i32
    scf.for %scan3A_13 = %scan3A to %scan3A_10 step %scan3A_11  : i32 {
      %rem3A = arith.constant 2 : i32
      %rem3A_14 = arith.remsi %scan3A_13, %rem3A : i32
      %add3A_15 = arith.constant 1 : i32
      %add3A_16 = arith.addi %scan3A_13, %add3A_15 : i32
      %lt3A = arith.constant 125 : i32
      %lt3A_17 = arith.cmpi slt, %add3A_16, %lt3A : i32
      %convert_element_type3A = arith.extui %lt3A_17 : i1 to i32
      %cond3A = arith.constant 0 : i32
      %cond3A_18 = arith.cmpi ne, %convert_element_type3A, %cond3A : i32
      scf.if %cond3A_18 {
        %add3A_28 = arith.constant 1 : i32
        %add3A_29 = arith.addi %scan3A_13, %add3A_28 : i32
        %rem3A_30 = arith.constant 2 : i32
        %rem3A_31 = arith.remsi %add3A_29, %rem3A_30 : i32
        %eq3A_32 = arith.constant 0 : i32
        %eq3A_33 = arith.cmpi eq, %rem3A_31, %eq3A_32 : i32
        %convert_element_type3A_34 = arith.extui %eq3A_33 : i1 to i32
        %cond3A_35 = arith.constant 0 : i32
        %cond3A_36 = arith.cmpi ne, %convert_element_type3A_34, %cond3A_35 : i32
        scf.if %cond3A_36 {
          %add3A_42 = arith.constant 1 : i32
          %add3A_43 = arith.addi %scan3A_13, %add3A_42 : i32
          %dma_start3A_44 = arith.constant 0 : i32
          %dma_start3A_45 = tpu.memref_slice %arg5[%add3A_43, %dma_start3A_44] : memref<125x80xi32, #tpu.memory_space<vmem>> -> memref<1x80xi32, #tpu.memory_space<vmem>>
          %dma_start3A_46 = tpu.memref_squeeze %dma_start3A_45 : memref<1x80xi32, #tpu.memory_space<vmem>> -> memref<80xi32, #tpu.memory_space<vmem>>
          %dma_start3A_47 = arith.constant 0 : i32
          %dma_start3A_48 = arith.constant 0 : i32
          %dma_start3A_49 = tpu.memref_slice %arg2[%dma_start3A_47, %dma_start3A_48] : memref<10000x128xi32, #tpu.memory_space<hbm>> -> memref<10000x128xi32, #tpu.memory_space<hbm>>
          tpu.enqueue_indirect_dma source(%dma_start3A_49 : memref<10000x128xi32, #tpu.memory_space<hbm>>) target(%arg6 : memref<80x128xi32, #tpu.memory_space<vmem>>) offsets(%dma_start3A_46 : memref<80xi32, #tpu.memory_space<vmem>>) semaphore(%arg8 : memref<!tpu.dma_semaphore, #tpu.memory_space<semaphore_mem>>)
        } else {
        }
        %eq3A_37 = arith.constant 1 : i32
        %eq3A_38 = arith.cmpi eq, %rem3A_31, %eq3A_37 : i32
        %convert_element_type3A_39 = arith.extui %eq3A_38 : i1 to i32
        %cond3A_40 = arith.constant 0 : i32
        %cond3A_41 = arith.cmpi ne, %convert_element_type3A_39, %cond3A_40 : i32
        scf.if %cond3A_41 {
          %add3A_42 = arith.constant 1 : i32
          %add3A_43 = arith.addi %scan3A_13, %add3A_42 : i32
          %dma_start3A_44 = arith.constant 0 : i32
          %dma_start3A_45 = tpu.memref_slice %arg5[%add3A_43, %dma_start3A_44] : memref<125x80xi32, #tpu.memory_space<vmem>> -> memref<1x80xi32, #tpu.memory_space<vmem>>
          %dma_start3A_46 = tpu.memref_squeeze %dma_start3A_45 : memref<1x80xi32, #tpu.memory_space<vmem>> -> memref<80xi32, #tpu.memory_space<vmem>>
          %dma_start3A_47 = arith.constant 0 : i32
          %dma_start3A_48 = arith.constant 0 : i32
          %dma_start3A_49 = tpu.memref_slice %arg2[%dma_start3A_47, %dma_start3A_48] : memref<10000x128xi32, #tpu.memory_space<hbm>> -> memref<10000x128xi32, #tpu.memory_space<hbm>>
          tpu.enqueue_indirect_dma source(%dma_start3A_49 : memref<10000x128xi32, #tpu.memory_space<hbm>>) target(%arg7 : memref<80x128xi32, #tpu.memory_space<vmem>>) offsets(%dma_start3A_46 : memref<80xi32, #tpu.memory_space<vmem>>) semaphore(%arg9 : memref<!tpu.dma_semaphore, #tpu.memory_space<semaphore_mem>>)
        } else {
        }
      } else {
      }
      %eq3A = arith.constant 0 : i32
      %eq3A_19 = arith.cmpi eq, %rem3A_14, %eq3A : i32
      %convert_element_type3A_20 = arith.extui %eq3A_19 : i1 to i32
      %cond3A_21 = arith.constant 0 : i32
      %cond3A_22 = arith.cmpi ne, %convert_element_type3A_20, %cond3A_21 : i32
      scf.if %cond3A_22 {
        %dma_wait3A = arith.constant 0 : i32
        %dma_wait3A_28 = tpu.memref_slice %arg5[%scan3A_13, %dma_wait3A] : memref<125x80xi32, #tpu.memory_space<vmem>> -> memref<1x80xi32, #tpu.memory_space<vmem>>
        %dma_wait3A_29 = tpu.memref_squeeze %dma_wait3A_28 : memref<1x80xi32, #tpu.memory_space<vmem>> -> memref<80xi32, #tpu.memory_space<vmem>>
        %dma_wait3A_30 = arith.constant 0 : i32
        %dma_wait3A_31 = arith.constant 0 : i32
        %dma_wait3A_32 = tpu.memref_slice %arg2[%dma_wait3A_30, %dma_wait3A_31] : memref<10000x128xi32, #tpu.memory_space<hbm>> -> memref<10000x128xi32, #tpu.memory_space<hbm>>
        tpu.wait_indirect_dma semaphore(%arg8 : memref<!tpu.dma_semaphore, #tpu.memory_space<semaphore_mem>>) src(%dma_wait3A_32 : memref<10000x128xi32, #tpu.memory_space<hbm>>) dst(%arg6 : memref<80x128xi32, #tpu.memory_space<vmem>>)
        %mul3A_33 = arith.constant 80 : i32
        %mul3A_34 = arith.muli %scan3A_13, %mul3A_33 : i32
        %add3A_35 = arith.addi %mul3A_2, %mul3A_34 : i32
        "tpu.region"() ({
          %run_scoped3A = tpu.sem_alloc : memref<!tpu.dma_semaphore, #tpu.memory_space<semaphore_mem>>
          %dma_start3A_36 = arith.constant 0 : i32
          %dma_start3A_37 = tpu.memref_slice %arg4[%add3A_35, %dma_start3A_36] : memref<320000x128xi32, #tpu.memory_space<hbm>> -> memref<80x128xi32, #tpu.memory_space<hbm>>
          %dma_start3A_38 = arith.constant 0 : i32
          %dma_start3A_39 = tpu.memref_slice %arg4[%add3A_35, %dma_start3A_38] : memref<320000x128xi32, #tpu.memory_space<hbm>> -> memref<80x128xi32, #tpu.memory_space<hbm>>
          tpu.enqueue_dma source(%arg6 : memref<80x128xi32, #tpu.memory_space<vmem>>) target(%dma_start3A_39 : memref<80x128xi32, #tpu.memory_space<hbm>>) target_semaphore(%run_scoped3A : memref<!tpu.dma_semaphore, #tpu.memory_space<semaphore_mem>>)
          %dma_wait3A_40 = arith.constant 0 : i32
          %dma_wait3A_41 = tpu.memref_slice %arg4[%add3A_35, %dma_wait3A_40] : memref<320000x128xi32, #tpu.memory_space<hbm>> -> memref<80x128xi32, #tpu.memory_space<hbm>>
          %dma_wait3A_42 = arith.constant 0 : i32
          %dma_wait3A_43 = tpu.memref_slice %arg4[%add3A_35, %dma_wait3A_42] : memref<320000x128xi32, #tpu.memory_space<hbm>> -> memref<80x128xi32, #tpu.memory_space<hbm>>
          tpu.wait_dma2 semaphore(%run_scoped3A : memref<!tpu.dma_semaphore, #tpu.memory_space<semaphore_mem>>) src(%arg6 : memref<80x128xi32, #tpu.memory_space<vmem>>) dst(%dma_wait3A_43 : memref<80x128xi32, #tpu.memory_space<hbm>>)
          tpu.yield
        }) : () -> ()
      } else {
      }
      %eq3A_23 = arith.constant 1 : i32
      %eq3A_24 = arith.cmpi eq, %rem3A_14, %eq3A_23 : i32
      %convert_element_type3A_25 = arith.extui %eq3A_24 : i1 to i32
      %cond3A_26 = arith.constant 0 : i32
      %cond3A_27 = arith.cmpi ne, %convert_element_type3A_25, %cond3A_26 : i32
      scf.if %cond3A_27 {
        %dma_wait3A = arith.constant 0 : i32
        %dma_wait3A_28 = tpu.memref_slice %arg5[%scan3A_13, %dma_wait3A] : memref<125x80xi32, #tpu.memory_space<vmem>> -> memref<1x80xi32, #tpu.memory_space<vmem>>
        %dma_wait3A_29 = tpu.memref_squeeze %dma_wait3A_28 : memref<1x80xi32, #tpu.memory_space<vmem>> -> memref<80xi32, #tpu.memory_space<vmem>>
        %dma_wait3A_30 = arith.constant 0 : i32
        %dma_wait3A_31 = arith.constant 0 : i32
        %dma_wait3A_32 = tpu.memref_slice %arg2[%dma_wait3A_30, %dma_wait3A_31] : memref<10000x128xi32, #tpu.memory_space<hbm>> -> memref<10000x128xi32, #tpu.memory_space<hbm>>
        tpu.wait_indirect_dma semaphore(%arg9 : memref<!tpu.dma_semaphore, #tpu.memory_space<semaphore_mem>>) src(%dma_wait3A_32 : memref<10000x128xi32, #tpu.memory_space<hbm>>) dst(%arg7 : memref<80x128xi32, #tpu.memory_space<vmem>>)
        %mul3A_33 = arith.constant 80 : i32
        %mul3A_34 = arith.muli %scan3A_13, %mul3A_33 : i32
        %add3A_35 = arith.addi %mul3A_2, %mul3A_34 : i32
        "tpu.region"() ({
          %run_scoped3A = tpu.sem_alloc : memref<!tpu.dma_semaphore, #tpu.memory_space<semaphore_mem>>
          %dma_start3A_36 = arith.constant 0 : i32
          %dma_start3A_37 = tpu.memref_slice %arg4[%add3A_35, %dma_start3A_36] : memref<320000x128xi32, #tpu.memory_space<hbm>> -> memref<80x128xi32, #tpu.memory_space<hbm>>
          %dma_start3A_38 = arith.constant 0 : i32
          %dma_start3A_39 = tpu.memref_slice %arg4[%add3A_35, %dma_start3A_38] : memref<320000x128xi32, #tpu.memory_space<hbm>> -> memref<80x128xi32, #tpu.memory_space<hbm>>
          tpu.enqueue_dma source(%arg7 : memref<80x128xi32, #tpu.memory_space<vmem>>) target(%dma_start3A_39 : memref<80x128xi32, #tpu.memory_space<hbm>>) target_semaphore(%run_scoped3A : memref<!tpu.dma_semaphore, #tpu.memory_space<semaphore_mem>>)
          %dma_wait3A_40 = arith.constant 0 : i32
          %dma_wait3A_41 = tpu.memref_slice %arg4[%add3A_35, %dma_wait3A_40] : memref<320000x128xi32, #tpu.memory_space<hbm>> -> memref<80x128xi32, #tpu.memory_space<hbm>>
          %dma_wait3A_42 = arith.constant 0 : i32
          %dma_wait3A_43 = tpu.memref_slice %arg4[%add3A_35, %dma_wait3A_42] : memref<320000x128xi32, #tpu.memory_space<hbm>> -> memref<80x128xi32, #tpu.memory_space<hbm>>
          tpu.wait_dma2 semaphore(%run_scoped3A : memref<!tpu.dma_semaphore, #tpu.memory_space<semaphore_mem>>) src(%arg7 : memref<80x128xi32, #tpu.memory_space<vmem>>) dst(%dma_wait3A_43 : memref<80x128xi32, #tpu.memory_space<hbm>>)
          tpu.yield
        }) : () -> ()
      } else {
      }
    }
    %scan3A_12 = arith.constant 125 : i32
    return
  }
}

module attributes {stable_mosaic.version = 14 : i64} {
  func.func @_tc_body(%arg0: i32, %arg1: memref<2560x128xi32, #tpu.memory_space<vmem>>, %arg2: memref<2560x1xf32, #tpu.memory_space<vmem>>, %arg3: memref<80x128xbf16, #tpu.memory_space<vmem>>, %arg4: memref<2560x16xbf16, #tpu.memory_space<vmem>>, %arg5: memref<1x128xf32, #tpu.memory_space<vmem>>, %arg6: memref<1x128xf32, #tpu.memory_space<vmem>>, %arg7: memref<128x256xbf16, #tpu.memory_space<vmem>>, %arg8: memref<128x256xbf16, #tpu.memory_space<vmem>>, %arg9: memref<1x256xf32, #tpu.memory_space<vmem>>, %arg10: memref<128x512xbf16, #tpu.memory_space<vmem>>, %arg11: memref<16x512xbf16, #tpu.memory_space<vmem>>, %arg12: memref<128x512xbf16, #tpu.memory_space<vmem>>, %arg13: memref<1x512xf32, #tpu.memory_space<vmem>>, %arg14: memref<256x8xbf16, #tpu.memory_space<vmem>>, %arg15: memref<8x256xbf16, #tpu.memory_space<vmem>>, %arg16: memref<256x256xbf16, #tpu.memory_space<vmem>>, %arg17: memref<1x256xf32, #tpu.memory_space<vmem>>, %arg18: memref<128x128xbf16, #tpu.memory_space<vmem>>, %arg19: memref<256x128xbf16, #tpu.memory_space<vmem>>, %arg20: memref<1x128xf32, #tpu.memory_space<vmem>>, %arg21: memref<128x128xbf16, #tpu.memory_space<vmem>>, %arg22: memref<1x128xf32, #tpu.memory_space<vmem>>, %arg23: memref<80x128xf32, #tpu.memory_space<vmem>>) attributes {dimension_semantics = [#tpu.dimension_semantics<arbitrary>], iteration_bounds = array<i64: 125>, scalar_prefetch = 0 : i64, scratch_operands = 0 : i64, tpu.core_type = #tpu.core_type<tc>, window_params = [{transform_indices = @transform_0, window_bounds = array<i64: 2560, 128>}, {transform_indices = @transform_1, window_bounds = array<i64: 2560, 1>}, {transform_indices = @transform_2, window_bounds = array<i64: 80, 128>}, {transform_indices = @transform_3, window_bounds = array<i64: 2560, 16>}, {pipeline_mode = #tpu.pipeline_mode<synchronous>, transform_indices = @transform_4, window_bounds = array<i64: 1, 128>}, {pipeline_mode = #tpu.pipeline_mode<synchronous>, transform_indices = @transform_5, window_bounds = array<i64: 1, 128>}, {pipeline_mode = #tpu.pipeline_mode<synchronous>, transform_indices = @transform_6, window_bounds = array<i64: 128, 256>}, {pipeline_mode = #tpu.pipeline_mode<synchronous>, transform_indices = @transform_7, window_bounds = array<i64: 128, 256>}, {pipeline_mode = #tpu.pipeline_mode<synchronous>, transform_indices = @transform_8, window_bounds = array<i64: 1, 256>}, {pipeline_mode = #tpu.pipeline_mode<synchronous>, transform_indices = @transform_9, window_bounds = array<i64: 128, 512>}, {pipeline_mode = #tpu.pipeline_mode<synchronous>, transform_indices = @transform_10, window_bounds = array<i64: 16, 512>}, {pipeline_mode = #tpu.pipeline_mode<synchronous>, transform_indices = @transform_11, window_bounds = array<i64: 128, 512>}, {pipeline_mode = #tpu.pipeline_mode<synchronous>, transform_indices = @transform_12, window_bounds = array<i64: 1, 512>}, {pipeline_mode = #tpu.pipeline_mode<synchronous>, transform_indices = @transform_13, window_bounds = array<i64: 256, 8>}, {pipeline_mode = #tpu.pipeline_mode<synchronous>, transform_indices = @transform_14, window_bounds = array<i64: 8, 256>}, {pipeline_mode = #tpu.pipeline_mode<synchronous>, transform_indices = @transform_15, window_bounds = array<i64: 256, 256>}, {pipeline_mode = #tpu.pipeline_mode<synchronous>, transform_indices = @transform_16, window_bounds = array<i64: 1, 256>}, {pipeline_mode = #tpu.pipeline_mode<synchronous>, transform_indices = @transform_17, window_bounds = array<i64: 128, 128>}, {pipeline_mode = #tpu.pipeline_mode<synchronous>, transform_indices = @transform_18, window_bounds = array<i64: 256, 128>}, {pipeline_mode = #tpu.pipeline_mode<synchronous>, transform_indices = @transform_19, window_bounds = array<i64: 1, 128>}, {pipeline_mode = #tpu.pipeline_mode<synchronous>, transform_indices = @transform_20, window_bounds = array<i64: 128, 128>}, {pipeline_mode = #tpu.pipeline_mode<synchronous>, transform_indices = @transform_21, window_bounds = array<i64: 1, 128>}, {transform_indices = @transform_22, window_bounds = array<i64: 80, 128>}]} {
    %get3A = arith.constant 0 : index
    %get3A_0 = arith.constant 0 : index
    %get3A_1 = vector.load %arg1[%get3A, %get3A_0] : memref<2560x128xi32, #tpu.memory_space<vmem>>, vector<2560x128xi32>
    %and3A = arith.constant -65536 : i32
    %and3A_2 = vector.broadcast %and3A : i32 to vector<2560x128xi32>
    %and3A_3 = arith.andi %get3A_1, %and3A_2 : vector<2560x128xi32>
    %bitcast_convert_type3A = tpu.bitcast %and3A_3 : vector<2560x128xi32> -> vector<2560x128xf32>
    %convert_element_type3A = arith.truncf %bitcast_convert_type3A : vector<2560x128xf32> to vector<2560x128xbf16>
    %slice3A = vector.extract_strided_slice %get3A_1 {offsets = [0, 0], sizes = [2560, 1], strides = [1, 1]} : vector<2560x128xi32> to vector<2560x1xi32>
    %and3A_4 = arith.constant 65535 : i32
    %and3A_5 = vector.broadcast %and3A_4 : i32 to vector<2560x1xi32>
    %and3A_6 = arith.andi %slice3A, %and3A_5 : vector<2560x1xi32>
    %shift_left3A = arith.constant 16 : i32
    %shift_left3A_7 = vector.broadcast %shift_left3A : i32 to vector<2560x1xi32>
    %shift_left3A_8 = arith.shli %and3A_6, %shift_left3A_7 : vector<2560x1xi32>
    %slice3A_9 = vector.extract_strided_slice %get3A_1 {offsets = [0, 1], sizes = [2560, 1], strides = [1, 1]} : vector<2560x128xi32> to vector<2560x1xi32>
    %and3A_10 = arith.constant 65535 : i32
    %and3A_11 = vector.broadcast %and3A_10 : i32 to vector<2560x1xi32>
    %and3A_12 = arith.andi %slice3A_9, %and3A_11 : vector<2560x1xi32>
    %or3A = arith.ori %shift_left3A_8, %and3A_12 : vector<2560x1xi32>
    %bitcast_convert_type3A_13 = tpu.bitcast %or3A : vector<2560x1xi32> -> vector<2560x1xf32>
    %get3A_14 = arith.constant 0 : index
    %get3A_15 = arith.constant 0 : index
    %get3A_16 = vector.load %arg2[%get3A_14, %get3A_15] : memref<2560x1xf32, #tpu.memory_space<vmem>>, vector<2560x1xf32>
    %sub3A = arith.subf %get3A_16, %bitcast_convert_type3A_13 : vector<2560x1xf32>
    %get3A_17 = arith.constant 0 : index
    %get3A_18 = arith.constant 0 : index
    %get3A_19 = vector.load %arg5[%get3A_17, %get3A_18] : memref<1x128xf32, #tpu.memory_space<vmem>>, vector<1x128xf32>
    %mul3A = vector.broadcast %sub3A : vector<2560x1xf32> to vector<2560x128xf32>
    %mul3A_20 = vector.broadcast %get3A_19 : vector<1x128xf32> to vector<2560x128xf32>
    %mul3A_21 = arith.mulf %mul3A, %mul3A_20 : vector<2560x128xf32>
    %get3A_22 = arith.constant 0 : index
    %get3A_23 = arith.constant 0 : index
    %get3A_24 = vector.load %arg6[%get3A_22, %get3A_23] : memref<1x128xf32, #tpu.memory_space<vmem>>, vector<1x128xf32>
    %add3A = vector.broadcast %get3A_24 : vector<1x128xf32> to vector<2560x128xf32>
    %add3A_25 = arith.addf %mul3A_21, %add3A : vector<2560x128xf32>
    %mul3A_26 = arith.constant 0.159154937 : f32
    %mul3A_27 = vector.broadcast %mul3A_26 : f32 to vector<2560x128xf32>
    %mul3A_28 = arith.mulf %add3A_25, %mul3A_27 : vector<2560x128xf32>
    %round3A = math.roundeven %mul3A_28 : vector<2560x128xf32>
    %sub3A_29 = arith.subf %mul3A_28, %round3A : vector<2560x128xf32>
    %mul3A_30 = arith.mulf %sub3A_29, %sub3A_29 : vector<2560x128xf32>
    %broadcast_in_dim3A = arith.constant 6.52815056 : f32
    %broadcast_in_dim3A_31 = vector.broadcast %broadcast_in_dim3A : f32 to vector<2560x128xf32>
    %mul3A_32 = arith.mulf %broadcast_in_dim3A_31, %mul3A_30 : vector<2560x128xf32>
    %add3A_33 = arith.constant -25.9641628 : f32
    %add3A_34 = vector.broadcast %add3A_33 : f32 to vector<2560x128xf32>
    %add3A_35 = arith.addf %mul3A_32, %add3A_34 : vector<2560x128xf32>
    %mul3A_36 = arith.mulf %add3A_35, %mul3A_30 : vector<2560x128xf32>
    %add3A_37 = arith.constant 60.1656113 : f32
    %add3A_38 = vector.broadcast %add3A_37 : f32 to vector<2560x128xf32>
    %add3A_39 = arith.addf %mul3A_36, %add3A_38 : vector<2560x128xf32>
    %mul3A_40 = arith.mulf %add3A_39, %mul3A_30 : vector<2560x128xf32>
    %add3A_41 = arith.constant -8.544970e+01 : f32
    %add3A_42 = vector.broadcast %add3A_41 : f32 to vector<2560x128xf32>
    %add3A_43 = arith.addf %mul3A_40, %add3A_42 : vector<2560x128xf32>
    %mul3A_44 = arith.mulf %add3A_43, %mul3A_30 : vector<2560x128xf32>
    %add3A_45 = arith.constant 64.9390793 : f32
    %add3A_46 = vector.broadcast %add3A_45 : f32 to vector<2560x128xf32>
    %add3A_47 = arith.addf %mul3A_44, %add3A_46 : vector<2560x128xf32>
    %mul3A_48 = arith.mulf %add3A_47, %mul3A_30 : vector<2560x128xf32>
    %add3A_49 = arith.constant -19.7392025 : f32
    %add3A_50 = vector.broadcast %add3A_49 : f32 to vector<2560x128xf32>
    %add3A_51 = arith.addf %mul3A_48, %add3A_50 : vector<2560x128xf32>
    %mul3A_52 = arith.mulf %add3A_51, %mul3A_30 : vector<2560x128xf32>
    %add3A_53 = arith.constant 1.000000e+00 : f32
    %add3A_54 = vector.broadcast %add3A_53 : f32 to vector<2560x128xf32>
    %add3A_55 = arith.addf %mul3A_52, %add3A_54 : vector<2560x128xf32>
    %get3A_56 = arith.constant 0 : index
    %get3A_57 = arith.constant 0 : index
    %get3A_58 = vector.load %arg10[%get3A_56, %get3A_57] : memref<128x512xbf16, #tpu.memory_space<vmem>>, vector<128x512xbf16>
    %dot_general3A = arith.constant dense<0.000000e+00> : vector<2560x512xf32>
    %dot_general3A_59 = tpu.matmul %convert_element_type3A, %get3A_58, %dot_general3A {dimension_numbers = #tpu.dot_dimension_numbers<[1], [0], [0], [1], [0, 0, 1, 1], [], []>, transpose_lhs_hint = false} : vector<2560x128xbf16>, vector<128x512xbf16>, vector<2560x512xf32> -> vector<2560x512xf32>
    %get3A_60 = arith.constant 0 : index
    %get3A_61 = arith.constant 0 : index
    %get3A_62 = vector.load %arg4[%get3A_60, %get3A_61] : memref<2560x16xbf16, #tpu.memory_space<vmem>>, vector<2560x16xbf16>
    %get3A_63 = arith.constant 0 : index
    %get3A_64 = arith.constant 0 : index
    %get3A_65 = vector.load %arg11[%get3A_63, %get3A_64] : memref<16x512xbf16, #tpu.memory_space<vmem>>, vector<16x512xbf16>
    %dot_general3A_66 = arith.constant dense<0.000000e+00> : vector<2560x512xf32>
    %dot_general3A_67 = tpu.matmul %get3A_62, %get3A_65, %dot_general3A_66 {dimension_numbers = #tpu.dot_dimension_numbers<[1], [0], [0], [1], [0, 0, 1, 1], [], []>, transpose_lhs_hint = false} : vector<2560x16xbf16>, vector<16x512xbf16>, vector<2560x512xf32> -> vector<2560x512xf32>
    %add3A_68 = arith.addf %dot_general3A_59, %dot_general3A_67 : vector<2560x512xf32>
    %convert_element_type3A_69 = arith.truncf %add3A_55 : vector<2560x128xf32> to vector<2560x128xbf16>
    %get3A_70 = arith.constant 0 : index
    %get3A_71 = arith.constant 0 : index
    %get3A_72 = vector.load %arg12[%get3A_70, %get3A_71] : memref<128x512xbf16, #tpu.memory_space<vmem>>, vector<128x512xbf16>
    %dot_general3A_73 = arith.constant dense<0.000000e+00> : vector<2560x512xf32>
    %dot_general3A_74 = tpu.matmul %convert_element_type3A_69, %get3A_72, %dot_general3A_73 {dimension_numbers = #tpu.dot_dimension_numbers<[1], [0], [0], [1], [0, 0, 1, 1], [], []>, transpose_lhs_hint = false} : vector<2560x128xbf16>, vector<128x512xbf16>, vector<2560x512xf32> -> vector<2560x512xf32>
    %add3A_75 = arith.addf %add3A_68, %dot_general3A_74 : vector<2560x512xf32>
    %get3A_76 = arith.constant 0 : index
    %get3A_77 = arith.constant 0 : index
    %get3A_78 = vector.load %arg13[%get3A_76, %get3A_77] : memref<1x512xf32, #tpu.memory_space<vmem>>, vector<1x512xf32>
    %add3A_79 = vector.broadcast %get3A_78 : vector<1x512xf32> to vector<2560x512xf32>
    %add3A_80 = arith.addf %add3A_75, %add3A_79 : vector<2560x512xf32>
    %slice3A_81 = vector.extract_strided_slice %add3A_80 {offsets = [0, 0], sizes = [2560, 256], strides = [1, 1]} : vector<2560x512xf32> to vector<2560x256xf32>
    %slice3A_82 = vector.extract_strided_slice %add3A_80 {offsets = [0, 256], sizes = [2560, 256], strides = [1, 1]} : vector<2560x512xf32> to vector<2560x256xf32>
    %get3A_83 = arith.constant 0 : index
    %get3A_84 = arith.constant 0 : index
    %get3A_85 = vector.load %arg3[%get3A_83, %get3A_84] : memref<80x128xbf16, #tpu.memory_space<vmem>>, vector<80x128xbf16>
    %get3A_86 = arith.constant 0 : index
    %get3A_87 = arith.constant 0 : index
    %get3A_88 = vector.load %arg6[%get3A_86, %get3A_87] : memref<1x128xf32, #tpu.memory_space<vmem>>, vector<1x128xf32>
    %mul3A_89 = arith.constant 0.159154937 : f32
    %mul3A_90 = vector.broadcast %mul3A_89 : f32 to vector<1x128xf32>
    %mul3A_91 = arith.mulf %get3A_88, %mul3A_90 : vector<1x128xf32>
    %round3A_92 = math.roundeven %mul3A_91 : vector<1x128xf32>
    %sub3A_93 = arith.subf %mul3A_91, %round3A_92 : vector<1x128xf32>
    %mul3A_94 = arith.mulf %sub3A_93, %sub3A_93 : vector<1x128xf32>
    %broadcast_in_dim3A_95 = arith.constant 6.52815056 : f32
    %broadcast_in_dim3A_96 = vector.broadcast %broadcast_in_dim3A_95 : f32 to vector<1x128xf32>
    %mul3A_97 = arith.mulf %broadcast_in_dim3A_96, %mul3A_94 : vector<1x128xf32>
    %add3A_98 = arith.constant -25.9641628 : f32
    %add3A_99 = vector.broadcast %add3A_98 : f32 to vector<1x128xf32>
    %add3A_100 = arith.addf %mul3A_97, %add3A_99 : vector<1x128xf32>
    %mul3A_101 = arith.mulf %add3A_100, %mul3A_94 : vector<1x128xf32>
    %add3A_102 = arith.constant 60.1656113 : f32
    %add3A_103 = vector.broadcast %add3A_102 : f32 to vector<1x128xf32>
    %add3A_104 = arith.addf %mul3A_101, %add3A_103 : vector<1x128xf32>
    %mul3A_105 = arith.mulf %add3A_104, %mul3A_94 : vector<1x128xf32>
    %add3A_106 = arith.constant -8.544970e+01 : f32
    %add3A_107 = vector.broadcast %add3A_106 : f32 to vector<1x128xf32>
    %add3A_108 = arith.addf %mul3A_105, %add3A_107 : vector<1x128xf32>
    %mul3A_109 = arith.mulf %add3A_108, %mul3A_94 : vector<1x128xf32>
    %add3A_110 = arith.constant 64.9390793 : f32
    %add3A_111 = vector.broadcast %add3A_110 : f32 to vector<1x128xf32>
    %add3A_112 = arith.addf %mul3A_109, %add3A_111 : vector<1x128xf32>
    %mul3A_113 = arith.mulf %add3A_112, %mul3A_94 : vector<1x128xf32>
    %add3A_114 = arith.constant -19.7392025 : f32
    %add3A_115 = vector.broadcast %add3A_114 : f32 to vector<1x128xf32>
    %add3A_116 = arith.addf %mul3A_113, %add3A_115 : vector<1x128xf32>
    %mul3A_117 = arith.mulf %add3A_116, %mul3A_94 : vector<1x128xf32>
    %add3A_118 = arith.constant 1.000000e+00 : f32
    %add3A_119 = vector.broadcast %add3A_118 : f32 to vector<1x128xf32>
    %add3A_120 = arith.addf %mul3A_117, %add3A_119 : vector<1x128xf32>
    %convert_element_type3A_121 = arith.truncf %add3A_120 : vector<1x128xf32> to vector<1x128xbf16>
    %get3A_122 = arith.constant 0 : index
    %get3A_123 = arith.constant 0 : index
    %get3A_124 = vector.load %arg8[%get3A_122, %get3A_123] : memref<128x256xbf16, #tpu.memory_space<vmem>>, vector<128x256xbf16>
    %dot_general3A_125 = arith.constant dense<0.000000e+00> : vector<1x256xf32>
    %dot_general3A_126 = tpu.matmul %convert_element_type3A_121, %get3A_124, %dot_general3A_125 {dimension_numbers = #tpu.dot_dimension_numbers<[1], [0], [0], [1], [0, 0, 1, 1], [], []>, transpose_lhs_hint = false} : vector<1x128xbf16>, vector<128x256xbf16>, vector<1x256xf32> -> vector<1x256xf32>
    %get3A_127 = arith.constant 0 : index
    %get3A_128 = arith.constant 0 : index
    %get3A_129 = vector.load %arg9[%get3A_127, %get3A_128] : memref<1x256xf32, #tpu.memory_space<vmem>>, vector<1x256xf32>
    %add3A_130 = arith.addf %dot_general3A_126, %get3A_129 : vector<1x256xf32>
    %get3A_131 = arith.constant 0 : index
    %get3A_132 = arith.constant 0 : index
    %get3A_133 = vector.load %arg7[%get3A_131, %get3A_132] : memref<128x256xbf16, #tpu.memory_space<vmem>>, vector<128x256xbf16>
    %dot_general3A_134 = arith.constant dense<0.000000e+00> : vector<80x256xf32>
    %dot_general3A_135 = tpu.matmul %get3A_85, %get3A_133, %dot_general3A_134 {dimension_numbers = #tpu.dot_dimension_numbers<[1], [0], [0], [1], [0, 0, 1, 1], [], []>, transpose_lhs_hint = false} : vector<80x128xbf16>, vector<128x256xbf16>, vector<80x256xf32> -> vector<80x256xf32>
    %add3A_136 = vector.broadcast %add3A_130 : vector<1x256xf32> to vector<80x256xf32>
    %add3A_137 = arith.addf %dot_general3A_135, %add3A_136 : vector<80x256xf32>
    %reshape3A = vector.shape_cast %slice3A_81 : vector<2560x256xf32> to vector<80x32x256xf32>
    %broadcast_in_dim3A_138 = vector.shape_cast %add3A_137 : vector<80x256xf32> to vector<80x1x256xf32>
    %mul3A_139 = vector.broadcast %broadcast_in_dim3A_138 : vector<80x1x256xf32> to vector<80x32x256xf32>
    %mul3A_140 = arith.mulf %reshape3A, %mul3A_139 : vector<80x32x256xf32>
    %reshape3A_141 = vector.shape_cast %mul3A_140 : vector<80x32x256xf32> to vector<2560x256xf32>
    %convert_element_type3A_142 = arith.truncf %reshape3A_141 : vector<2560x256xf32> to vector<2560x256xbf16>
    %get3A_143 = arith.constant 0 : index
    %get3A_144 = arith.constant 0 : index
    %get3A_145 = vector.load %arg14[%get3A_143, %get3A_144] : memref<256x8xbf16, #tpu.memory_space<vmem>>, vector<256x8xbf16>
    %dot_general3A_146 = arith.constant dense<0.000000e+00> : vector<2560x8xf32>
    %dot_general3A_147 = tpu.matmul %convert_element_type3A_142, %get3A_145, %dot_general3A_146 {dimension_numbers = #tpu.dot_dimension_numbers<[1], [0], [0], [1], [0, 0, 1, 1], [], []>, transpose_lhs_hint = false} : vector<2560x256xbf16>, vector<256x8xbf16>, vector<2560x8xf32> -> vector<2560x8xf32>
    %mul3A_148 = arith.constant 0.176776692 : f32
    %mul3A_149 = vector.broadcast %mul3A_148 : f32 to vector<2560x8xf32>
    %mul3A_150 = arith.mulf %dot_general3A_147, %mul3A_149 : vector<2560x8xf32>
    %reshape3A_151 = vector.shape_cast %mul3A_150 : vector<2560x8xf32> to vector<80x32x8xf32>
    %reduce_max3A = arith.constant dense<0xFF800000> : vector<80x8xf32>
    %reduce_max3A_152 = vector.multi_reduction <maximumf>, %reshape3A_151, %reduce_max3A [1] : vector<80x32x8xf32> to vector<80x8xf32>
    %broadcast_in_dim3A_153 = vector.shape_cast %reduce_max3A_152 : vector<80x8xf32> to vector<80x1x8xf32>
    %sub3A_154 = vector.broadcast %broadcast_in_dim3A_153 : vector<80x1x8xf32> to vector<80x32x8xf32>
    %sub3A_155 = arith.subf %reshape3A_151, %sub3A_154 : vector<80x32x8xf32>
    %exp3A = math.exp %sub3A_155 : vector<80x32x8xf32>
    %reduce_sum3A = arith.constant dense<0.000000e+00> : vector<80x8xf32>
    %reduce_sum3A_156 = vector.multi_reduction <add>, %exp3A, %reduce_sum3A [1] : vector<80x32x8xf32> to vector<80x8xf32>
    %broadcast_in_dim3A_157 = vector.shape_cast %reduce_sum3A_156 : vector<80x8xf32> to vector<80x1x8xf32>
    %div3A = vector.broadcast %broadcast_in_dim3A_157 : vector<80x1x8xf32> to vector<80x32x8xf32>
    %div3A_158 = arith.divf %exp3A, %div3A : vector<80x32x8xf32>
    %convert_element_type3A_159 = arith.truncf %div3A_158 : vector<80x32x8xf32> to vector<80x32x8xbf16>
    %reshape3A_160 = vector.shape_cast %convert_element_type3A_159 : vector<80x32x8xbf16> to vector<2560x8xbf16>
    %get3A_161 = arith.constant 0 : index
    %get3A_162 = arith.constant 0 : index
    %get3A_163 = vector.load %arg15[%get3A_161, %get3A_162] : memref<8x256xbf16, #tpu.memory_space<vmem>>, vector<8x256xbf16>
    %dot_general3A_164 = arith.constant dense<0.000000e+00> : vector<2560x256xf32>
    %dot_general3A_165 = tpu.matmul %reshape3A_160, %get3A_163, %dot_general3A_164 {dimension_numbers = #tpu.dot_dimension_numbers<[1], [0], [0], [1], [0, 0, 1, 1], [], []>, transpose_lhs_hint = false} : vector<2560x8xbf16>, vector<8x256xbf16>, vector<2560x256xf32> -> vector<2560x256xf32>
    %mul3A_166 = arith.mulf %dot_general3A_165, %slice3A_82 : vector<2560x256xf32>
    %reshape3A_167 = vector.shape_cast %mul3A_166 : vector<2560x256xf32> to vector<80x32x256xf32>
    %reduce_sum3A_168 = arith.constant dense<0.000000e+00> : vector<80x256xf32>
    %reduce_sum3A_169 = vector.multi_reduction <add>, %reshape3A_167, %reduce_sum3A_168 [1] : vector<80x32x256xf32> to vector<80x256xf32>
    %convert_element_type3A_170 = arith.truncf %reduce_sum3A_169 : vector<80x256xf32> to vector<80x256xbf16>
    %get3A_171 = arith.constant 0 : index
    %get3A_172 = arith.constant 0 : index
    %get3A_173 = vector.load %arg16[%get3A_171, %get3A_172] : memref<256x256xbf16, #tpu.memory_space<vmem>>, vector<256x256xbf16>
    %dot_general3A_174 = arith.constant dense<0.000000e+00> : vector<80x256xf32>
    %dot_general3A_175 = tpu.matmul %convert_element_type3A_170, %get3A_173, %dot_general3A_174 {dimension_numbers = #tpu.dot_dimension_numbers<[1], [0], [0], [1], [0, 0, 1, 1], [], []>, transpose_lhs_hint = false} : vector<80x256xbf16>, vector<256x256xbf16>, vector<80x256xf32> -> vector<80x256xf32>
    %get3A_176 = arith.constant 0 : index
    %get3A_177 = arith.constant 0 : index
    %get3A_178 = vector.load %arg17[%get3A_176, %get3A_177] : memref<1x256xf32, #tpu.memory_space<vmem>>, vector<1x256xf32>
    %add3A_179 = vector.broadcast %get3A_178 : vector<1x256xf32> to vector<80x256xf32>
    %add3A_180 = arith.addf %dot_general3A_175, %add3A_179 : vector<80x256xf32>
    %get3A_181 = arith.constant 0 : index
    %get3A_182 = arith.constant 0 : index
    %get3A_183 = vector.load %arg18[%get3A_181, %get3A_182] : memref<128x128xbf16, #tpu.memory_space<vmem>>, vector<128x128xbf16>
    %dot_general3A_184 = arith.constant dense<0.000000e+00> : vector<80x128xf32>
    %dot_general3A_185 = tpu.matmul %get3A_85, %get3A_183, %dot_general3A_184 {dimension_numbers = #tpu.dot_dimension_numbers<[1], [0], [0], [1], [0, 0, 1, 1], [], []>, transpose_lhs_hint = false} : vector<80x128xbf16>, vector<128x128xbf16>, vector<80x128xf32> -> vector<80x128xf32>
    %convert_element_type3A_186 = arith.truncf %add3A_180 : vector<80x256xf32> to vector<80x256xbf16>
    %get3A_187 = arith.constant 0 : index
    %get3A_188 = arith.constant 0 : index
    %get3A_189 = vector.load %arg19[%get3A_187, %get3A_188] : memref<256x128xbf16, #tpu.memory_space<vmem>>, vector<256x128xbf16>
    %dot_general3A_190 = arith.constant dense<0.000000e+00> : vector<80x128xf32>
    %dot_general3A_191 = tpu.matmul %convert_element_type3A_186, %get3A_189, %dot_general3A_190 {dimension_numbers = #tpu.dot_dimension_numbers<[1], [0], [0], [1], [0, 0, 1, 1], [], []>, transpose_lhs_hint = false} : vector<80x256xbf16>, vector<256x128xbf16>, vector<80x128xf32> -> vector<80x128xf32>
    %add3A_192 = arith.addf %dot_general3A_185, %dot_general3A_191 : vector<80x128xf32>
    %get3A_193 = arith.constant 0 : index
    %get3A_194 = arith.constant 0 : index
    %get3A_195 = vector.load %arg20[%get3A_193, %get3A_194] : memref<1x128xf32, #tpu.memory_space<vmem>>, vector<1x128xf32>
    %add3A_196 = vector.broadcast %get3A_195 : vector<1x128xf32> to vector<80x128xf32>
    %add3A_197 = arith.addf %add3A_192, %add3A_196 : vector<80x128xf32>
    %max3A = arith.constant 0.000000e+00 : f32
    %max3A_198 = vector.broadcast %max3A : f32 to vector<80x128xf32>
    %max3A_199 = arith.maximumf %add3A_197, %max3A_198 : vector<80x128xf32>
    %convert_element_type3A_200 = arith.truncf %max3A_199 : vector<80x128xf32> to vector<80x128xbf16>
    %get3A_201 = arith.constant 0 : index
    %get3A_202 = arith.constant 0 : index
    %get3A_203 = vector.load %arg21[%get3A_201, %get3A_202] : memref<128x128xbf16, #tpu.memory_space<vmem>>, vector<128x128xbf16>
    %dot_general3A_204 = arith.constant dense<0.000000e+00> : vector<80x128xf32>
    %dot_general3A_205 = tpu.matmul %convert_element_type3A_200, %get3A_203, %dot_general3A_204 {dimension_numbers = #tpu.dot_dimension_numbers<[1], [0], [0], [1], [0, 0, 1, 1], [], []>, transpose_lhs_hint = false} : vector<80x128xbf16>, vector<128x128xbf16>, vector<80x128xf32> -> vector<80x128xf32>
    %get3A_206 = arith.constant 0 : index
    %get3A_207 = arith.constant 0 : index
    %get3A_208 = vector.load %arg22[%get3A_206, %get3A_207] : memref<1x128xf32, #tpu.memory_space<vmem>>, vector<1x128xf32>
    %add3A_209 = vector.broadcast %get3A_208 : vector<1x128xf32> to vector<80x128xf32>
    %add3A_210 = arith.addf %dot_general3A_205, %add3A_209 : vector<80x128xf32>
    %swap3A = arith.constant 0 : index
    %swap3A_211 = arith.constant 0 : index
    %swap3A_212 = vector.load %arg23[%swap3A, %swap3A_211] : memref<80x128xf32, #tpu.memory_space<vmem>>, vector<80x128xf32>
    tpu.vector_store %arg23[%swap3A, %swap3A_211], %add3A_210 {strides = array<i32>} : memref<80x128xf32, #tpu.memory_space<vmem>>, vector<80x128xf32>,
    return
  }
  func.func @transform_0(%arg0: i32) -> (i32, i32) {
    %c0_i32 = arith.constant 0 : i32
    %c0_i32_0 = arith.constant 0 : i32
    return %arg0, %c0_i32 : i32, i32
  }
  func.func @transform_1(%arg0: i32) -> (i32, i32) {
    %c0_i32 = arith.constant 0 : i32
    %c0_i32_0 = arith.constant 0 : i32
    return %arg0, %c0_i32 : i32, i32
  }
  func.func @transform_2(%arg0: i32) -> (i32, i32) {
    %c0_i32 = arith.constant 0 : i32
    %c0_i32_0 = arith.constant 0 : i32
    return %arg0, %c0_i32 : i32, i32
  }
  func.func @transform_3(%arg0: i32) -> (i32, i32) {
    %c0_i32 = arith.constant 0 : i32
    %c0_i32_0 = arith.constant 0 : i32
    return %arg0, %c0_i32 : i32, i32
  }
  func.func @transform_4(%arg0: i32) -> (i32, i32) {
    %c0_i32 = arith.constant 0 : i32
    %c0_i32_0 = arith.constant 0 : i32
    %c0_i32_1 = arith.constant 0 : i32
    return %c0_i32, %c0_i32_0 : i32, i32
  }
  func.func @transform_5(%arg0: i32) -> (i32, i32) {
    %c0_i32 = arith.constant 0 : i32
    %c0_i32_0 = arith.constant 0 : i32
    %c0_i32_1 = arith.constant 0 : i32
    return %c0_i32, %c0_i32_0 : i32, i32
  }
  func.func @transform_6(%arg0: i32) -> (i32, i32) {
    %c0_i32 = arith.constant 0 : i32
    %c0_i32_0 = arith.constant 0 : i32
    %c0_i32_1 = arith.constant 0 : i32
    return %c0_i32, %c0_i32_0 : i32, i32
  }
  func.func @transform_7(%arg0: i32) -> (i32, i32) {
    %c0_i32 = arith.constant 0 : i32
    %c0_i32_0 = arith.constant 0 : i32
    %c0_i32_1 = arith.constant 0 : i32
    return %c0_i32, %c0_i32_0 : i32, i32
  }
  func.func @transform_8(%arg0: i32) -> (i32, i32) {
    %c0_i32 = arith.constant 0 : i32
    %c0_i32_0 = arith.constant 0 : i32
    %c0_i32_1 = arith.constant 0 : i32
    return %c0_i32, %c0_i32_0 : i32, i32
  }
  func.func @transform_9(%arg0: i32) -> (i32, i32) {
    %c0_i32 = arith.constant 0 : i32
    %c0_i32_0 = arith.constant 0 : i32
    %c0_i32_1 = arith.constant 0 : i32
    return %c0_i32, %c0_i32_0 : i32, i32
  }
  func.func @transform_10(%arg0: i32) -> (i32, i32) {
    %c0_i32 = arith.constant 0 : i32
    %c0_i32_0 = arith.constant 0 : i32
    %c0_i32_1 = arith.constant 0 : i32
    return %c0_i32, %c0_i32_0 : i32, i32
  }
  func.func @transform_11(%arg0: i32) -> (i32, i32) {
    %c0_i32 = arith.constant 0 : i32
    %c0_i32_0 = arith.constant 0 : i32
    %c0_i32_1 = arith.constant 0 : i32
    return %c0_i32, %c0_i32_0 : i32, i32
  }
  func.func @transform_12(%arg0: i32) -> (i32, i32) {
    %c0_i32 = arith.constant 0 : i32
    %c0_i32_0 = arith.constant 0 : i32
    %c0_i32_1 = arith.constant 0 : i32
    return %c0_i32, %c0_i32_0 : i32, i32
  }
  func.func @transform_13(%arg0: i32) -> (i32, i32) {
    %c0_i32 = arith.constant 0 : i32
    %c0_i32_0 = arith.constant 0 : i32
    %c0_i32_1 = arith.constant 0 : i32
    return %c0_i32, %c0_i32_0 : i32, i32
  }
  func.func @transform_14(%arg0: i32) -> (i32, i32) {
    %c0_i32 = arith.constant 0 : i32
    %c0_i32_0 = arith.constant 0 : i32
    %c0_i32_1 = arith.constant 0 : i32
    return %c0_i32, %c0_i32_0 : i32, i32
  }
  func.func @transform_15(%arg0: i32) -> (i32, i32) {
    %c0_i32 = arith.constant 0 : i32
    %c0_i32_0 = arith.constant 0 : i32
    %c0_i32_1 = arith.constant 0 : i32
    return %c0_i32, %c0_i32_0 : i32, i32
  }
  func.func @transform_16(%arg0: i32) -> (i32, i32) {
    %c0_i32 = arith.constant 0 : i32
    %c0_i32_0 = arith.constant 0 : i32
    %c0_i32_1 = arith.constant 0 : i32
    return %c0_i32, %c0_i32_0 : i32, i32
  }
  func.func @transform_17(%arg0: i32) -> (i32, i32) {
    %c0_i32 = arith.constant 0 : i32
    %c0_i32_0 = arith.constant 0 : i32
    %c0_i32_1 = arith.constant 0 : i32
    return %c0_i32, %c0_i32_0 : i32, i32
  }
  func.func @transform_18(%arg0: i32) -> (i32, i32) {
    %c0_i32 = arith.constant 0 : i32
    %c0_i32_0 = arith.constant 0 : i32
    %c0_i32_1 = arith.constant 0 : i32
    return %c0_i32, %c0_i32_0 : i32, i32
  }
  func.func @transform_19(%arg0: i32) -> (i32, i32) {
    %c0_i32 = arith.constant 0 : i32
    %c0_i32_0 = arith.constant 0 : i32
    %c0_i32_1 = arith.constant 0 : i32
    return %c0_i32, %c0_i32_0 : i32, i32
  }
  func.func @transform_20(%arg0: i32) -> (i32, i32) {
    %c0_i32 = arith.constant 0 : i32
    %c0_i32_0 = arith.constant 0 : i32
    %c0_i32_1 = arith.constant 0 : i32
    return %c0_i32, %c0_i32_0 : i32, i32
  }
  func.func @transform_21(%arg0: i32) -> (i32, i32) {
    %c0_i32 = arith.constant 0 : i32
    %c0_i32_0 = arith.constant 0 : i32
    %c0_i32_1 = arith.constant 0 : i32
    return %c0_i32, %c0_i32_0 : i32, i32
  }
  func.func @transform_22(%arg0: i32) -> (i32, i32) {
    %c0_i32 = arith.constant 0 : i32
    %c0_i32_0 = arith.constant 0 : i32
    return %arg0, %c0_i32 : i32, i32
  }
}

</mosaic_0001>

<sc_bundles>
// kernel: kernel.4.cloned.1.call-start
scs
__scs_entry_jumppad:
0x0: {  	(pc) =	sbr.rel $0x88, $3  }
0x1: {  	(tag) =	ssettag $0x0;
	lr =	simm.s32 $0x1  }
0x2: {  	[smem:$0x3F90] =	sst lr;
	_ =	strace $0xD0000000  }
0x3: {  	_ = 	snop  }
0x4: {  	_ = 	snop  }
0x5: {  	_ = 	snop  }
0x6: {  	_ = 	snop  }
0x7: {  	_ = 	snop  }
__scs_overlays_trampoline_lowered:
0x8: {  	[smem:$0x3F9F] =	sst s0  }
0x9: {  	[smem:$0x3FA0] =	sst s1  }
0xa: {  	[smem:$0x3FA1] =	sst s2  }
0xb: {  	[smem:$0x3FA2] =	sst s3  }
0xc: {  	[smem:$0x3FA3] =	sst s4  }
0xd: {  	[smem:$0x3FA4] =	sst s5  }
0xe: {  	[smem:$0x3FA5] =	sst s6  }
0xf: {  	[smem:$0x3FA6] =	sst s7  }
0x10: {  	[smem:$0x3FA7] =	sst s8  }
0x11: {  	[smem:$0x3FA8] =	sst s9;
	s0 =	simm.s32 @!p0 $0x0  }
0x12: {  	s1 =	sld [smem:$0x3F8E];
	s0 =	simm.s32 @p0 $0x1  }
0x13: {  	[smem:$0x3FA9] =	sst s0;
	s0 =	simm.s32 @!p1 $0x0  }
0x14: {  	s2 =	sld [smem:$0x3F8D];
	s0 =	simm.s32 @p1 $0x1  }
0x15: {  	[smem:$0x3FAA] =	sst s0;
	s0 =	simm.s32 @!p2 $0x0  }
0x16: {  	s3 =	sld [smem:$0x3FDB];
	s0 =	simm.s32 @p2 $0x1  }
0x17: {  	s4 =	simm.s32 $0x1BF5;
	[smem:$0x3FAC] =	sst s0  }
0x18: {  	s0 =	sld [smem:$0x3F8F];
	_ =	swait.ge [sflag:s4], $0x0  }
0x19: {  	s7 =	sld [smem:$0x3F90]  }
0x1a: {  	s8 =	sadd.s32 $0xFFFFE003, lr  }
0x1b: {  	s9 =	sadd.s32 $0xFFFFFEF7, lr;
	s5 =	simm.s32 $0xFFFFFFFF;
	p2 =	slt.u32 s8, $0xFFFFF086  }
0x1c: {  	p1 =	slt.u32 s9, $0xF7A;
	s5 =	simm.s32 @!p2 $0x0  }
0x1d: {  	s5 =	simm.s32 @p1 $0x1;
	p0 =	seq.s32 s7, s2  }
0x1e: {  	s7 =	smul.u32 @!p0 $0xF7A, s2;
	p2 =	seq.s32 @!p0 s5, $0x0  }
0x1f: {  	s9 =	smul.u32 $0xF7A, s1;
	s8 =	simm.s32 @!p0 $0x1BF5;
	p2 =	por !p2, p0  }
0x20: {  	[sflag:s8] =	ssyncset.s32 @!p0 $0xFFFFF086;
	s6 =	sadd.s32 @!p0 s3, s7;
	s7 =	simm.s32 @!p0 $0x108  }
0x21: {  	s3 =	sadd.s32 s3, s9;
	s6 =	sadd.s32 @!p0 $0x88, s6;
	s7 =	simm.s32 @p2 $0x1082  }
0x22: {  	[simem:s7], [sflag:s8] =	dma.local @!p0 [hbm:s6], $0xF7A  }
0x23: {  	s9 =	sor.u32 $0xD0000000, s2;
	s6 =	simm.s32 $0x108;
	_ =	swait.ge @!p0 [sflag:s8], $0x0  }
0x24: {  	s3 =	sadd.s32 $0x88, s3;
	s6 =	simm.s32 @!p1 $0x1082;
	[sflag:s4] =	ssyncset.s32 $0xFFFFF086  }
0x25: {  	[simem:s6], [sflag:s4] =	dma.local [hbm:s3], $0xF7A  }
0x26: {  	[smem:$0x3F90] =	sst s1;
	(tag) =	ssettag s2;
	_ =	strace s9  }
0x27: {  	s1 =	sld [smem:$0x3FA0]  }
0x28: {  	s2 =	sld [smem:$0x3FA1]  }
0x29: {  	s4 =	sld [smem:$0x3FA3]  }
0x2a: {  	p0 =	seq.s32 s5, $0x0;
	s5 =	sld [smem:$0x3FA4]  }
0x2b: {  	s6 =	sld [smem:$0x3FA5]  }
0x2c: {  	s7 =	sld [smem:$0x3FA6]  }
0x2d: {  	s3 =	simm.s32 $0x108;
	s8 =	sld [smem:$0x3FA7]  }
0x2e: {  	s3 =	simm.s32 @!p0 $0x1082;
	s9 =	sld [smem:$0x3FA8]  }
0x2f: {  	lr =	sadd.s32 s0, s3;
	s0 =	sld [smem:$0x3F9F]  }
0x30: {  	s3 =	sld [smem:$0x3FA2]  }
0x31: {  	[smem:$0x3FAB] =	sst s10  }
0x32: {  	s10 =	sld [smem:$0x3FA9];
	_ =	sdelay $0x3  }
0x33: {  	p0 =	seq.s32 s10, $0x1;
	s10 =	sld [smem:$0x3FAB];
	_ =	sdelay $0x3  }
0x34: {  	[smem:$0x3FAB] =	sst s10  }
0x35: {  	s10 =	sld [smem:$0x3FAA];
	_ =	sdelay $0x3  }
0x36: {  	p1 =	seq.s32 s10, $0x1;
	s10 =	sld [smem:$0x3FAB];
	_ =	sdelay $0x3  }
0x37: {  	[smem:$0x3FAB] =	sst s10  }
0x38: {  	s10 =	sld [smem:$0x3FAC]  }
0x39: {  	_ = 	snop;
	(pc) =	sbr.ind lr, $3  }
0x3a: {  	_ = 	snop  }
0x3b: {  	_ = 	snop  }
0x3c: {  	p2 =	seq.s32 s10, $0x1;
	s10 =	sld [smem:$0x3FAB]  }
0x3d: {  	_ =	shalt  }
0x3e: {  	_ =	shalt  }
0x3f: {  	_ =	shalt  }
0x40: {  	_ =	shalt  }
0x41: {  	_ =	shalt  }
0x42: {  	_ =	shalt  }
0x43: {  	_ =	shalt  }
0x44: {  	_ =	shalt  }
0x45: {  	_ =	shalt  }
0x46: {  	_ =	shalt  }
0x47: {  	_ =	shalt  }
0x48: {  	_ =	shalt  }
0x49: {  	_ =	shalt  }
0x4a: {  	_ =	shalt  }
0x4b: {  	_ =	shalt  }
0x4c: {  	_ =	shalt  }
0x4d: {  	_ =	shalt  }
0x4e: {  	_ =	shalt  }
0x4f: {  	_ =	shalt  }
0x50: {  	_ =	shalt  }
0x51: {  	_ =	shalt  }
0x52: {  	_ =	shalt  }
0x53: {  	_ =	shalt  }
0x54: {  	_ =	shalt  }
0x55: {  	_ =	shalt  }
0x56: {  	_ =	shalt  }
0x57: {  	_ =	shalt  }
0x58: {  	_ =	shalt  }
0x59: {  	_ =	shalt  }
0x5a: {  	_ =	shalt  }
0x5b: {  	_ =	shalt  }
0x5c: {  	_ =	shalt  }
0x5d: {  	_ =	shalt  }
0x5e: {  	_ =	shalt  }
0x5f: {  	_ =	shalt  }
0x60: {  	_ =	shalt  }
0x61: {  	_ =	shalt  }
0x62: {  	_ =	shalt  }
0x63: {  	_ =	shalt  }
0x64: {  	_ =	shalt  }
0x65: {  	_ =	shalt  }
0x66: {  	_ =	shalt  }
0x67: {  	_ =	shalt  }
0x68: {  	_ =	shalt  }
0x69: {  	_ =	shalt  }
0x6a: {  	_ =	shalt  }
0x6b: {  	_ =	shalt  }
0x6c: {  	_ =	shalt  }
0x6d: {  	_ =	shalt  }
0x6e: {  	_ =	shalt  }
0x6f: {  	_ =	shalt  }
0x70: {  	_ =	shalt  }
0x71: {  	_ =	shalt  }
0x72: {  	_ =	shalt  }
0x73: {  	_ =	shalt  }
0x74: {  	_ =	shalt  }
0x75: {  	_ =	shalt  }
0x76: {  	_ =	shalt  }
0x77: {  	_ =	shalt  }
0x78: {  	_ =	shalt  }
0x79: {  	_ =	shalt  }
0x7a: {  	_ =	shalt  }
0x7b: {  	_ =	shalt  }
0x7c: {  	_ =	shalt  }
0x7d: {  	_ =	shalt  }
0x7e: {  	_ =	shalt  }
0x7f: {  	_ =	shalt  }
0x80: {  	_ =	shalt  }
0x81: {  	_ =	shalt  }
0x82: {  	_ =	shalt  }
0x83: {  	_ =	shalt  }
0x84: {  	_ =	shalt  }
0x85: {  	_ =	shalt  }
0x86: {  	_ =	shalt  }
0x87: {  	_ =	shalt  }
.Lfunc_end0:
.L_simem_size_0:
called_computation_lowered:
.L_overlay_start_0:
0x88: {  	s2 =	sld [smem:$0x3FD9]  }
0x89: {  	s3 =	sld [smem:$0x3FFE];
	_ =	sdelay $0x1  }
0x8a: {  	s1 =	srdreg.scid  }
0x8b: {  	s0 =	sand.u32 $0x1, s1  }
0x8c: {  	s17 =	sshll.u32 s0, $0xA;
	s2 =	sadd.s32 s3, s2  }
0x8d: {  	s2 =	sadd.s32 s2, s17  }
0x8e: {  	[smem:$0x3FB7] =	sst s2  }
0x8f: {  	_ = 	snop  }
0x90: {  	s2 =	sld [smem:$0x3FD0];
	(tm) =	ssettm $0x1  }
0x91: {  	s18 =	sld [smem:$0x3FFB];
	_ =	sdelay $0x3  }
0x92: {  	_ =	strace s18  }
0x93: {  	s3 =	sld [smem:$0x3FFC];
	_ =	sdelay $0x3  }
0x94: {  	_ =	strace s3  }
0x95: {  	s3 =	sld [smem:$0x3FFD];
	_ =	sdelay $0x3  }
0x96: {  	_ =	strace s3  }
0x97: {  	_ =	strace $0x8FFFFFFF  }
0x98: {  	s19 =	sld [smem:$0x3FDB];
	_ =	sdelay $0x1  }
0x99: {  	s4 =	simm.s32 $_scs_section_size  }
0x9a: {  	s5 =	simm.s32 $_size__tile_overlayer_lowered;
	s6 =	simm.s32 $_tile_overlayer_lowered  }
0x9b: {  	s22 =	simm.s32 $0x1BFF;
	s21 =	sshll.u32 s6, $0x1;
	s3 =	sadd.s32 s4, s19  }
0x9c: {  	s7 =	simm.s32 $0x0;
	s20 =	sshll.u32 s5, $0x1;
	s5 =	sadd.s32 s21, s3  }
0x9d: {  	[timem:s7], [sflag:s22] =	dma.local [hbm:s5], s20  }
0x9e: {  	_ =	swait.ge [sflag:s22], s20  }
0x9f: {  	s4 =	ssub.s32 $0x0, s20;
	[sflag:s22] =	ssyncset.done $0x0  }
0xa0: {  	[sflag:s22] =	ssyncadd.s32 s4;
	_ =	sdelay $0x1  }
0xa1: {  	s23 =	simm.s32 $0x1B8B  }
0xa2: {  	_ =	swait.ge [sflag:s23], $0x1  }
0xa3: {  	[sflag:s23] =	ssyncset.done $0x0  }
0xa4: {  	s25 =	simm.s32 $0x1B8E;
	s24 =	sld [smem:$0x3FFE];
	[sflag:s23] =	ssyncadd.s32 $0xFFFFFFFF  }
0xa5: {  	s26 =	simm.s32 $execute0_lowered;
	[smem:$0x3FD2] =	sst s25  }
0xa6: {  	s5 =	sshll.u32 s26, $0x1;
	_ =	strace $0x80000046;
	[dreg:$0x1] =	wrdreg $0xFFFFFFFF  }
0xa7: {  	s28 =	simm.s32 $_size_execute0_lowered;
	s3 =	sadd.s32 s3, s5;
	[dreg:$0x0] =	wrdreg $0x0  }
0xa8: {  	s5 =	sshll.u32 s28, $0x1;
	[dreg:$0x2] =	wrdreg s3  }
0xa9: {  	[dreg:$0x3] =	wrdreg s5  }
0xaa: {  	[dreg:$0x4] =	wrdreg $0xC0  }
0xab: {  	_ =	task [dreg:s7], $0x5FFFF  }
0xac: {  	[dreg:$0x1] =	wrdreg $0xFFFFFFFF  }
0xad: {  	[dreg:$0x0] =	wrdreg $0x60  }
0xae: {  	[dreg:$0x2] =	wrdreg s2  }
0xaf: {  	[dreg:$0x3] =	wrdreg s24  }
0xb0: {  	[dreg:$0x4] =	wrdreg $0x9  }
0xb1: {  	_ =	task.clear_ibuf [dreg:s7], $0x5FFFF;
	_ =	strace $0x90000046  }
0xb2: {  	s29 =	simm.s32 $0x9;
	_ =	strace $0x80000048  }
0xb3: {  	_ =	swait.ge [sflag:s29], $0x1  }
0xb4: {  	[sflag:s29] =	ssyncadd.s32 $0xFFFFFFFF  }
0xb5: {  	_ =	strace $0x90000048  }
0xb6: {  	_ =	sfence  }
0xb7: {  	s30 =	sld [smem:$0x0];
	_ =	sdelay $0x2  }
0xb8: {  	s31 =	sshll.u32 s1, $0xD;
	s1 =	sshrl.u32 s1, $0x2  }
0xb9: {  	s3 =	sand.u32 $0x4000, s31;
	s1 =	sadd.s32 s1, s30  }
0xba: {  	s0 =	sor.u32 s3, s0;
	s1 =	sshll.u32 s1, $0x11  }
0xbb: {  	s0 =	sor.u32 s1, s0  }
0xbc: {  	s0 =	sadd.s32 $0x8F2B, s0  }
0xbd: {  	[sflag:s0] =	ssyncadd.remote.s32 $0x1  }
0xbe: {  	_ =	sfence.sel $0xFFFF  }
0xbf: {  	[dreg:$0x0] =	wrdreg $0xFFFFFFFF;
	(pc) =	sbr.abs _section_cstart, $3  }
0xc0: {  	[dreg:$0x1] =	wrdreg $0xFFFFFFFF  }
0xc1: {  	_ =	task.clear_ibuf [dreg:s7], $0x2FFFF;
	_ =	strace $0x9FFFFFFF  }
0xc2: {  	(tm) =	ssettm $0x7FFFFFFF  }
0xc3: {  	_ =	shalt  }
tec
execute0_lowered:
.L_overlay_start_1:
0x0: {  	(tag) =	ssettag $0x1  }
0x1: {  	s1 =	rddreg [dreg:$0x0]  }
0x2: {  	s4 =	rddreg [dreg:$0x1]  }
0x3: {  	s0 =	rddreg [dreg:$0x2];
	s3 =	simm.s32 $0x0;
	s5 =	srdreg.scid  }
0x4: {  	s2 =	stileid.u32;
	s12 =	simm.s32 $0x4;
	s13 =	simm.s32 $0x0  }
0x5: {  	[smem:$0x7FF] =	sst s3;
	s5 =	sand.u32 $0x1, s5;
	s6 =	sshll.u32 s2, $0x1  }
0x6: {  	s10 =	smul.u32 $0x4E200, s2;
	s11 =	sadd.s32 $0x27000, s4;
	_ =	strace $0x80000047  }
0x7: {  	s6 =	sor.u32 s5, s6;
	s8 =	ssub.s32 $0x2, s5;
	s30 =	smul.u32 $0x27100, s5  }
0x8: {  	s7 =	sshll.u32 s6, $0xB;
	s6 =	smul.u32 $0x27100, s6;
	s9 =	sshrl.u32 s8, $0x1  }
0x9: {  	s31 =	sadd.s32 s10, s11;
	s10 =	simm.s32 $0x4000;
	s7 =	sadd.s32 s7, s4  }
0xa: {  	s8 =	ssub.s32 s8, s9;
	s9 =	simm.s32 $0x50;
	s4 =	sadd.s32 $0x3600, s7  }
0xb: {  	s6 =	sadd.s32 s11, s6;
	s5 =	smax.u32 s8, $0x1;
	s7 =	sadd.s32 s30, s31  }
0xc: {  	s8 =	simm.s32 $0x3;
	s11 =	simm.s32 $0x1;
	s6 =	sadd.s32 $0x26C00, s6  }
.LBB2_1:
0xd: {  	[tilespmem:s3], [sflag:$0x3] =	stream.linear.gather [hbm4b:s4+s3], $0x3E80, $0x38;
	[tilespmem:$0x9000] =	vst v63  }
0xe: {  	s14 =	sand.u32 $0x1, s11  }
0xf: {  	s15 =	simm.s32 $0x80;
	s31 =	simm.s32 $0x0;
	_ =	swait.ge [sflag:s8], $0x3E80  }
0x10: {  	s18 =	simm.s32 $0x2;
	s22 =	smov.u32 s7;
	[sflag:s8] =	ssyncset.done $0x0  }
0x11: {  	p1 =	seq.s32 s14, $0x1;
	s14 =	sand.u32 $0x1, s31;
	[sflag:s8] =	ssyncadd.s32 $0xFFFFC180  }
0x12: {  	[tilespmem:s10], [sflag:$0x1] =	stream.indirect.gather [hbm4b:s1+s9], $0x80, s3, s9, $0xb8;
	[tilespmem:$0x9000] =	vst v63  }
0x13: {  	s16 =	simm.s32 @p1 $0x50;
	s17 =	simm.s32 @p1 $0x6800;
	p0 =	sne.s32 s14, $0x0  }
0x14: {  	[tilespmem:s17], [sflag:$0x2] =	stream.indirect.gather @p1 [hbm4b:s1+s16], $0x80, s15, s16, $0xb8;
	[tilespmem:$0x9000] =	vst v63  }
0x15: {  	s14 =	simm.s32 @p0 $0x2;
	s16 =	simm.s32 @!p1 $0x50;
	s17 =	simm.s32 @!p1 $0x4000  }
0x16: {  	[tilespmem:s17], [sflag:$0x1] =	stream.indirect.gather @!p1 [hbm4b:s1+s16], $0x80, s15, s16, $0xb8;
	[tilespmem:$0x9000] =	vst v63  }
0x17: {  	s23 =	sand.u32 $0x1, s18;
	s19 =	simm.s32 @!p0 $0x0;
	_ =	swait.ge @p0 [sflag:s14], $0x2800  }
0x18: {  	s20 =	simm.s32 @!p0 $0x4000;
	s21 =	simm.s32 @!p0 $0x1;
	[sflag:s14] =	ssyncset.done @p0 $0x0  }
0x19: {  	s15 =	simm.s32 @p0 $0x6800;
	[sflag:s14] =	ssyncadd.s32 @p0 $0xFFFFD800;
	s14 =	simm.s32 @p0 $0x0  }
0x1a: {  	[hbm4b:s7+s14] =	stream.linear.scatter @p0 [tilespmem:s15], [sflag:$0x3], $0x2800, $0x38;
	[tilespmem:$0x9000] =	vst v63  }
0x1b: {  	s16 =	simm.s32 $0x3;
	s17 =	simm.s32 @!p0 $0x4;
	_ =	swait.ge @!p0 [sflag:s21], $0x2800  }
0x1c: {  	s15 =	simm.s32 $0x100;
	s14 =	sadd.s32 $0x500, s7;
	[sflag:s21] =	ssyncset.done @!p0 $0x0  }
.LBB2_2:
0x1d: {  	p2 =	seq.s32 s23, $0x1  }
0x1e: {  	[sflag:s21] =	ssyncadd.s32 @!p0 $0xFFFFD800;
	s17 =	simm.s32 @p0 $0x3;
	s21 =	smov.u32 s16  }
0x1f: {  	[hbm4b:s22+s19] =	stream.linear.scatter @!p0 [tilespmem:s20], [sflag:$0x4], $0x2800, $0x38;
	[tilespmem:$0x9000] =	vst v63  }
0x20: {  	s16 =	sadd.s32 $0x1, s16;
	s18 =	sadd.s32 $0xFFFFFFFF, s18;
	_ =	swait.ge [sflag:s17], $0x2800  }
0x21: {  	s18 =	sand.u32 $0x1, s18;
	s19 =	simm.s32 @!p2 $0x50;
	[sflag:s17] =	ssyncset.done $0x0  }
0x22: {  	s20 =	simm.s32 @p2 $0x50;
	s22 =	simm.s32 @p2 $0x6800;
	[sflag:s17] =	ssyncadd.s32 $0xFFFFD800  }
0x23: {  	[tilespmem:s22], [sflag:$0x2] =	stream.indirect.gather @p2 [hbm4b:s1+s20], $0x80, s15, s20, $0xb8;
	[tilespmem:$0x9000] =	vst v63  }
0x24: {  	p1 =	sne.s32 s16, $0x7D;
	p0 =	sne.s32 s18, $0x0;
	s17 =	simm.s32 @!p2 $0x4000  }
0x25: {  	[tilespmem:s17], [sflag:$0x1] =	stream.indirect.gather @!p2 [hbm4b:s1+s19], $0x80, s15, s19, $0xb8;
	[tilespmem:$0x9000] =	vst v63  }
0x26: {  	s22 =	simm.s32 @p0 $0x2;
	s20 =	simm.s32 @!p0 $0x4000;
	s19 =	simm.s32 @!p0 $0x0  }
0x27: {  	s18 =	smov.u32 s21;
	s17 =	simm.s32 @!p0 $0x4;
	_ =	swait.ge @p0 [sflag:s22], $0x2800  }
.Ltmp0:
0x28: {  	s21 =	simm.s32 @!p0 $0x1;
	[sflag:s22] =	ssyncset.done @p0 $0x0;
	(pc) =	sbr.rel @p1 .LBB2_2-.Ltmp0, $4  }
0x29: {  	s23 =	simm.s32 @p0 $0x6800;
	[sflag:s22] =	ssyncadd.s32 @p0 $0xFFFFD800;
	s22 =	simm.s32 @p0 $0x0  }
0x2a: {  	[hbm4b:s14+s22] =	stream.linear.scatter @p0 [tilespmem:s23], [sflag:$0x3], $0x2800, $0x38;
	[tilespmem:$0x9000] =	vst v63  }
0x2b: {  	s15 =	sadd.s32 $0x80, s15;
	s22 =	smov.u32 s14;
	_ =	swait.ge @!p0 [sflag:s21], $0x2800  }
0x2c: {  	s23 =	sand.u32 $0x1, s18;
	s14 =	sadd.s32 $0x500, s14;
	[sflag:s21] =	ssyncset.done @!p0 $0x0  }
0x2d: {  	[sflag:s21] =	ssyncadd.s32 @!p0 $0xFFFFD800;
	s17 =	simm.s32 @p0 $0x3  }
0x2e: {  	[hbm4b:s22+s19] =	stream.linear.scatter @!p0 [tilespmem:s20], [sflag:$0x4], $0x2800, $0x38;
	[tilespmem:$0x9000] =	vst v63  }
0x2f: {  	s16 =	sadd.s32 $0xFFFFFFFF, s18;
	_ =	swait.ge [sflag:s17], $0x2800  }
0x30: {  	p1 =	seq.s32 s23, $0x1;
	s16 =	sand.u32 $0x1, s16;
	[sflag:s17] =	ssyncset.done $0x0  }
0x31: {  	s18 =	simm.s32 @p1 $0x50;
	s19 =	simm.s32 @p1 $0x6800;
	[sflag:s17] =	ssyncadd.s32 $0xFFFFD800  }
0x32: {  	[tilespmem:s19], [sflag:$0x2] =	stream.indirect.gather @p1 [hbm4b:s1+s18], $0x80, s15, s18, $0xb8;
	[tilespmem:$0x9000] =	vst v63  }
0x33: {  	p0 =	sne.s32 s16, $0x0;
	s17 =	simm.s32 @!p1 $0x50;
	s18 =	simm.s32 @!p1 $0x4000  }
0x34: {  	[tilespmem:s18], [sflag:$0x1] =	stream.indirect.gather @!p1 [hbm4b:s1+s17], $0x80, s15, s17, $0xb8;
	[tilespmem:$0x9000] =	vst v63  }
0x35: {  	s15 =	simm.s32 @p0 $0x2  }
0x36: {  	_ =	swait.ge @p0 [sflag:s15], $0x2800  }
0x37: {  	s16 =	simm.s32 @!p0 $0x1;
	[sflag:s15] =	ssyncset.done @p0 $0x0  }
0x38: {  	s17 =	simm.s32 @p0 $0x6800;
	[sflag:s15] =	ssyncadd.s32 @p0 $0xFFFFD800;
	s15 =	simm.s32 @p0 $0x0  }
0x39: {  	[hbm4b:s14+s15] =	stream.linear.scatter @p0 [tilespmem:s17], [sflag:$0x3], $0x2800, $0x38;
	[tilespmem:$0x9000] =	vst v63  }
0x3a: {  	_ =	swait.ge @!p0 [sflag:s16], $0x2800  }
0x3b: {  	s18 =	simm.s32 @!p0 $0x4000;
	s17 =	simm.s32 @!p0 $0x4;
	[sflag:s16] =	ssyncset.done @!p0 $0x0  }
0x3c: {  	s15 =	simm.s32 @!p0 $0x0;
	s17 =	simm.s32 @p0 $0x3;
	[sflag:s16] =	ssyncadd.s32 @!p0 $0xFFFFD800  }
0x3d: {  	[hbm4b:s14+s15] =	stream.linear.scatter @!p0 [tilespmem:s18], [sflag:$0x4], $0x2800, $0x38;
	[tilespmem:$0x9000] =	vst v63  }
0x3e: {  	_ =	swait.ge [sflag:s17], $0x2800  }
0x3f: {  	[sflag:s17] =	ssyncset.done $0x0  }
0x40: {  	[sflag:s17] =	ssyncadd.s32 $0xFFFFD800  }
0x41: {  	s13 =	sadd.s32 $0x1, s13;
	_ =	swait.ge [sflag:s11], $0x2800  }
0x42: {  	p0 =	sne.s32 s13, s5;
	[sflag:s11] =	ssyncset.done $0x0  }
.Ltmp1:
0x43: {  	[sflag:s11] =	ssyncadd.s32 $0xFFFFD800;
	(pc) =	sbr.rel @p0 .LBB2_1-.Ltmp1, $4  }
0x44: {  	[hbm4b:s6+s3] =	stream.linear.scatter [tilespmem:s10], [sflag:$0x4], $0x2800, $0x38;
	[tilespmem:$0x9000] =	vst v63  }
0x45: {  	_ =	swait.ge [sflag:s12], $0x2800  }
0x46: {  	[sflag:s12] =	ssyncset.done $0x0  }
0x47: {  	[sflag:s12] =	ssyncadd.s32 $0xFFFFD800  }
0x48: {  	_ =	sfence.sel $0x180000  }
0x49: {  	[bflag:$0x0] =	sbarrier.arrive $0xFFFF  }
0x4a: {  	p0 =	sne.s32 s2, $0x0;
	_ =	strace $0x90000047  }
0x4b: {  	s0 =	sadd.s32 @!p0 $0x100000, s0;
	[bflag:$0x2] =	sbarrier.arrive $0xFFFF  }
0x4c: {  	[sflag:s0] =	ssyncadd.tile.s32 @!p0 $0x1;
	_ =	shalt  }
.Lfunc_end2:
_tile_overlayer_lowered:
.L_overlay_start_2:
0x4d: {  	(tag) =	ssettag $0x2  }
0x4e: {  	s0 =	rddreg [dreg:$0x0];
	s2 =	stileid.u32  }
0x4f: {  	s1 =	rddreg [dreg:$0x1];
	p0 =	sne.s32 s2, $0x0  }
0x50: {  	s3 =	rddreg [dreg:$0x2];
	[bflag:$0x3] =	sbarrier.arrive $0xFFFF;
	s2 =	simm.s32 @!p0 $0x1C03  }
0x51: {  	[timem:s3], [sflag:s2] =	dma.local @!p0 [hbm:s0], s1  }
0x52: {  	s0 =	simm.s32 @!p0 $0x3  }
0x53: {  	_ =	swait.ge @!p0 [sflag:s0], s1  }
0x54: {  	s1 =	ssub.s32 @!p0 $0x0, s1;
	[sflag:s0] =	ssyncset.done @!p0 $0x0  }
0x55: {  	[sflag:s0] =	ssyncadd.s32 @!p0 s1  }
0x56: {  	[bflag:$0x3] =	sbarrier.arrive $0xFFFF  }
0x57: {  	_ =	shalt  }

</sc_bundles>
